<compile_context>
chip_gen: v7x
topology: tpu7x:2x2x1
jax: 0.10.2.dev20260603
libtpu: 0.0.44.dev20260713+nightly
codegen_flags: <defaults>
</compile_context>

<pallas_src>
import jax
import jax.numpy as jnp
from jax.experimental import pallas as pl
from jax.experimental.pallas import tpu as pltpu
from jax.experimental.pallas import tpu_sc as plsc

F = 128
NCORES = 2
NSUB = 16
CPW = 64
BPW = 8
LANES = 16


def kernel(mask, row_embed, col_embed):
    b, h, w = mask.shape
    mesh = plsc.VectorSubcoreMesh(core_axis_name="c", subcore_axis_name="s")

    @pl.kernel(
        out_type=jax.ShapeDtypeStruct((b, 2 * F, h, w), jnp.float32),
        mesh=mesh,
        compiler_params=pltpu.CompilerParams(
            use_tc_tiling_on_sc=False, needs_layout_passes=False
        ),
        scratch_types=[
            pltpu.VMEM((CPW, h, w), jnp.float32),
            pltpu.VMEM((h, F), jnp.float32),
            pltpu.SemaphoreType.DMA,
        ],
    )
    def sc_kernel(row_hbm, col_hbm, out_hbm, chunk, tab, sem):
        core = jax.lax.axis_index("c")
        sub = jax.lax.axis_index("s")
        wid = core * NSUB + sub
        q = wid // 8
        g = wid % 8
        c0 = q * CPW
        iota = jax.lax.iota(jnp.int32, LANES)

        @pl.when(q < 2)
        def _x_half():
            pltpu.async_copy(col_hbm.at[pl.ds(0, w)], tab, sem).wait()

            @pl.loop(0, CPW)
            def _xj(j):
                cvec = jnp.zeros((LANES,), jnp.int32) + (c0 + j)
                v0 = plsc.load_gather(tab, [iota, cvec])
                v1 = plsc.load_gather(tab, [iota + LANES, cvec])

                @pl.loop(0, h)
                def _xy(y):
                    chunk.at[j].at[y][pl.ds(0, LANES)] = v0
                    chunk.at[j].at[y][pl.ds(LANES, LANES)] = v1

        @pl.when(q >= 2)
        def _y_half():
            pltpu.async_copy(row_hbm.at[pl.ds(0, h)], tab, sem).wait()

            @pl.loop(0, CPW)
            def _yj(j):
                ccvec = jnp.zeros((LANES,), jnp.int32) + (c0 + j - F)

                @pl.loop(0, h)
                def _yy(y):
                    yvec = jnp.zeros((LANES,), jnp.int32) + y
                    v = plsc.load_gather(tab, [yvec, ccvec])
                    chunk.at[j].at[y][pl.ds(0, LANES)] = v
                    chunk.at[j].at[y][pl.ds(LANES, LANES)] = v

        copies = [
            pltpu.make_async_copy(
                chunk, out_hbm.at[g * BPW + k, pl.ds(c0, CPW)], sem
            )
            for k in range(BPW)
        ]
        for c in copies:
            c.start()
        for c in copies:
            c.wait()

    return sc_kernel(row_embed, col_embed)

# --- scband reference (transcript-rebuilt; emitter-appended) ---
"""Pipeline reference for scband-position-embedding-learned-81372450390045 (READ-ONLY COPY).

The authoritative reference and input builder live on the scoring server;
editing this copy changes nothing except your own understanding.
"""

import jax, jax.numpy as jnp
import numpy as np

NUM_POS_FEATS = 128

def setup_inputs(seed: int = 0) -> dict:
    key = jax.random.key(seed)
    k1, k2 = jax.random.split(key)
    mask = jnp.zeros((64, 32, 32), dtype=jnp.bool_)
    # nn.init.uniform_ -> U[0,1)
    row_embed = jax.random.uniform(k1, (50, NUM_POS_FEATS), dtype=jnp.float32)
    col_embed = jax.random.uniform(k2, (50, NUM_POS_FEATS), dtype=jnp.float32)
    return {"mask": mask, "row_embed": row_embed, "col_embed": col_embed}

def reference(mask, row_embed, col_embed):
    b, h, w = mask.shape
    i = jnp.arange(w)
    j = jnp.arange(h)
    x_emb = jnp.take(col_embed, i, axis=0)  # [w, F]
    y_emb = jnp.take(row_embed, j, axis=0)  # [h, F]
    x_part = jnp.broadcast_to(x_emb[None, :, :], (h, w, NUM_POS_FEATS))
    y_part = jnp.broadcast_to(y_emb[:, None, :], (h, w, NUM_POS_FEATS))
    pos = jnp.concatenate([x_part, y_part], axis=-1)  # [h, w, 2F]
    pos = jnp.transpose(pos, (2, 0, 1))  # [2F, h, w]
    pos = jnp.broadcast_to(pos[None, :, :, :], (b, 2 * NUM_POS_FEATS, h, w))
    return pos

if __name__ == "__main__":
    import jax
    _d = setup_inputs()
    print(jax.jit(kernel)(*tuple(_d.values())))

</pallas_src>

<mosaic_0001>
#map = affine_map<(d0, d1) -> (0, 0)>
#map1 = affine_map<(d0, d1) -> (0, 0, 0, 0)>
module attributes {stable_mosaic.version = 14 : i64} {
  func.func @sc_kernel(%arg0: i32, %arg1: i32, %arg2: memref<50x128xf32, #tpu.memory_space<hbm>>, %arg3: memref<50x128xf32, #tpu.memory_space<hbm>>, %arg4: memref<64x256x32x32xf32, #tpu.memory_space<hbm>>, %arg5: memref<64x32x32xf32, #tpu.memory_space<vmem>>, %arg6: memref<32x128xf32, #tpu.memory_space<vmem>>, %arg7: memref<!tpu.dma_semaphore, #tpu.memory_space<semaphore_mem>>) attributes {dimension_semantics = [#tpu.dimension_semantics<core_parallel>, #tpu.dimension_semantics<subcore_parallel>], iteration_bounds = array<i64: 2, 16>, scalar_prefetch = 0 : i64, scratch_operands = 3 : i64, tpu.core_type = #tpu.core_type<sc_vector_subcore>, window_params = [{transform_indices = #map}, {transform_indices = #map}, {transform_indices = #map1}]} {
    %mul3A = arith.constant 16 : i32
    %mul3A_0 = arith.muli %arg0, %mul3A : i32
    %add3A = arith.addi %mul3A_0, %arg1 : i32
    %jit3A = arith.constant 8 : i32
    %div3A = arith.divsi %add3A, %jit3A : i32
    %sign3A = arith.constant 0 : i32
    %sign3A_1 = arith.cmpi sgt, %add3A, %sign3A : i32
    %sign3A_2 = arith.extui %sign3A_1 : i1 to i32
    %sign3A_3 = arith.constant 0 : i32
    %sign3A_4 = arith.cmpi slt, %add3A, %sign3A_3 : i32
    %sign3A_5 = arith.extui %sign3A_4 : i1 to i32
    %sign3A_6 = arith.subi %sign3A_2, %sign3A_5 : i32
    %sign3A_7 = arith.constant 0 : i32
    %sign3A_8 = arith.cmpi sgt, %jit3A, %sign3A_7 : i32
    %sign3A_9 = arith.extui %sign3A_8 : i1 to i32
    %sign3A_10 = arith.constant 0 : i32
    %sign3A_11 = arith.cmpi slt, %jit3A, %sign3A_10 : i32
    %sign3A_12 = arith.extui %sign3A_11 : i1 to i32
    %sign3A_13 = arith.subi %sign3A_9, %sign3A_12 : i32
    %ne3A = arith.cmpi ne, %sign3A_6, %sign3A_13 : i32
    %rem3A = arith.remsi %add3A, %jit3A : i32
    %ne3A_14 = arith.constant 0 : i32
    %ne3A_15 = arith.cmpi ne, %rem3A, %ne3A_14 : i32
    %and3A = arith.andi %ne3A, %ne3A_15 : i1
    %sub3A = arith.constant 1 : i32
    %sub3A_16 = arith.subi %div3A, %sub3A : i32
    %select_n3A = arith.select %and3A, %sub3A_16, %div3A : i32
    %jit3A_17 = arith.constant 8 : i32
    %eq3A = arith.constant 0 : i32
    %eq3A_18 = arith.cmpi eq, %jit3A_17, %eq3A : i32
    %jit3A_19 = arith.constant 1 : i32
    %select_n3A_20 = arith.select %eq3A_18, %jit3A_19, %jit3A_17 : i32
    %rem3A_21 = arith.remsi %add3A, %select_n3A_20 : i32
    %ne3A_22 = arith.constant 0 : i32
    %ne3A_23 = arith.cmpi ne, %rem3A_21, %ne3A_22 : i32
    %lt3A = arith.constant 0 : i32
    %lt3A_24 = arith.cmpi slt, %rem3A_21, %lt3A : i32
    %lt3A_25 = arith.constant 0 : i32
    %lt3A_26 = arith.cmpi slt, %select_n3A_20, %lt3A_25 : i32
    %ne3A_27 = arith.xori %lt3A_24, %lt3A_26 : i1
    %and3A_28 = arith.andi %ne3A_27, %ne3A_23 : i1
    %add3A_29 = arith.addi %rem3A_21, %select_n3A_20 : i32
    %select_n3A_30 = arith.select %and3A_28, %add3A_29, %rem3A_21 : i32
    %mul3A_31 = arith.constant 64 : i32
    %mul3A_32 = arith.muli %select_n3A, %mul3A_31 : i32
    %iota3A = tpu.iota {dimensions = array<i32: 0>} : vector<16xi32>
    %lt3A_33 = arith.constant 2 : i32
    %lt3A_34 = arith.cmpi slt, %select_n3A, %lt3A_33 : i32
    %convert_element_type3A = arith.extui %lt3A_34 : i1 to i32
    %cond3A = arith.constant 0 : i32
    %cond3A_35 = arith.cmpi ne, %convert_element_type3A, %cond3A : i32
    scf.if %cond3A_35 {
      %dma_start3A_198 = arith.constant 0 : i32
      %dma_start3A_199 = arith.constant 0 : i32
      %dma_start3A_200 = tpu.memref_slice %arg3[%dma_start3A_198, %dma_start3A_199] : memref<50x128xf32, #tpu.memory_space<hbm>> -> memref<32x128xf32, #tpu.memory_space<hbm>>
      %dma_start3A_201 = arith.constant 0 : i32
      %dma_start3A_202 = arith.constant 0 : i32
      %dma_start3A_203 = tpu.memref_slice %arg3[%dma_start3A_201, %dma_start3A_202] : memref<50x128xf32, #tpu.memory_space<hbm>> -> memref<32x128xf32, #tpu.memory_space<hbm>>
      tpu.enqueue_dma source(%dma_start3A_203 : memref<32x128xf32, #tpu.memory_space<hbm>>) target(%arg6 : memref<32x128xf32, #tpu.memory_space<vmem>>) target_semaphore(%arg7 : memref<!tpu.dma_semaphore, #tpu.memory_space<semaphore_mem>>)
      %dma_wait3A_204 = arith.constant 0 : i32
      %dma_wait3A_205 = arith.constant 0 : i32
      %dma_wait3A_206 = tpu.memref_slice %arg3[%dma_wait3A_204, %dma_wait3A_205] : memref<50x128xf32, #tpu.memory_space<hbm>> -> memref<32x128xf32, #tpu.memory_space<hbm>>
      %dma_wait3A_207 = arith.constant 0 : i32
      %dma_wait3A_208 = arith.constant 0 : i32
      %dma_wait3A_209 = tpu.memref_slice %arg3[%dma_wait3A_207, %dma_wait3A_208] : memref<50x128xf32, #tpu.memory_space<hbm>> -> memref<32x128xf32, #tpu.memory_space<hbm>>
      tpu.wait_dma2 semaphore(%arg7 : memref<!tpu.dma_semaphore, #tpu.memory_space<semaphore_mem>>) src(%dma_wait3A_209 : memref<32x128xf32, #tpu.memory_space<hbm>>) dst(%arg6 : memref<32x128xf32, #tpu.memory_space<vmem>>)
      %scan3A = arith.constant 0 : i32
      %scan3A_210 = arith.constant 64 : i32
      %scan3A_211 = arith.addi %scan3A, %scan3A_210 : i32
      %scan3A_212 = arith.constant 1 : i32
      scf.for %scan3A_214 = %scan3A to %scan3A_211 step %scan3A_212  : i32 {
        %mul3A_215 = arith.constant 1 : i32
        %mul3A_216 = arith.muli %scan3A_214, %mul3A_215 : i32
        %add3A_217 = arith.constant 0 : i32
        %add3A_218 = arith.addi %add3A_217, %mul3A_216 : i32
        %broadcast_in_dim3A = arith.constant 0 : i32
        %broadcast_in_dim3A_219 = vector.broadcast %broadcast_in_dim3A : i32 to vector<16xi32>
        %add3A_220 = arith.addi %mul3A_32, %add3A_218 : i32
        %add3A_221 = vector.broadcast %add3A_220 : i32 to vector<16xi32>
        %add3A_222 = arith.addi %broadcast_in_dim3A_219, %add3A_221 : vector<16xi32>
        %gather3A = tpu.vector_load_idx %arg6[%iota3A, %add3A_222] : memref<32x128xf32, #tpu.memory_space<vmem>>[vector<16xi32>, vector<16xi32>], vector<16xf32>,
        %add3A_223 = arith.constant 16 : i32
        %add3A_224 = vector.broadcast %add3A_223 : i32 to vector<16xi32>
        %add3A_225 = arith.addi %iota3A, %add3A_224 : vector<16xi32>
        %gather3A_226 = tpu.vector_load_idx %arg6[%add3A_225, %add3A_222] : memref<32x128xf32, #tpu.memory_space<vmem>>[vector<16xi32>, vector<16xi32>], vector<16xf32>,
        %scan3A_227 = arith.constant 0 : i32
        %scan3A_228 = arith.constant 32 : i32
        %scan3A_229 = arith.addi %scan3A_227, %scan3A_228 : i32
        %scan3A_230 = arith.constant 1 : i32
        scf.for %scan3A_232 = %scan3A_227 to %scan3A_229 step %scan3A_230  : i32 {
          %mul3A_233 = arith.constant 1 : i32
          %mul3A_234 = arith.muli %scan3A_232, %mul3A_233 : i32
          %add3A_235 = arith.constant 0 : i32
          %add3A_236 = arith.addi %add3A_235, %mul3A_234 : i32
          %swap3A = arith.constant 0 : i32
          %swap3A_237 = arith.constant 0 : i32
          %swap3A_238 = tpu.memref_slice %arg5[%add3A_218, %swap3A, %swap3A_237] : memref<64x32x32xf32, #tpu.memory_space<vmem>> -> memref<1x32x32xf32, #tpu.memory_space<vmem>>
          %swap3A_239 = tpu.memref_squeeze %swap3A_238 : memref<1x32x32xf32, #tpu.memory_space<vmem>> -> memref<32x32xf32, #tpu.memory_space<vmem>>
          %swap3A_240 = arith.constant 0 : i32
          %swap3A_241 = tpu.memref_slice %swap3A_239[%add3A_236, %swap3A_240] : memref<32x32xf32, #tpu.memory_space<vmem>> -> memref<1x32xf32, #tpu.memory_space<vmem>>
          %swap3A_242 = tpu.memref_squeeze %swap3A_241 : memref<1x32xf32, #tpu.memory_space<vmem>> -> memref<32xf32, #tpu.memory_space<vmem>>
          %swap3A_243 = arith.constant 0 : index
          %swap3A_244 = tpu.vector_load %swap3A_242[%swap3A_243] {strides = array<i32>} : memref<32xf32, #tpu.memory_space<vmem>>, vector<16xf32>,
          tpu.vector_store %swap3A_242[%swap3A_243], %gather3A {strides = array<i32>} : memref<32xf32, #tpu.memory_space<vmem>>, vector<16xf32>,
          %swap3A_245 = arith.constant 0 : i32
          %swap3A_246 = arith.constant 0 : i32
          %swap3A_247 = tpu.memref_slice %arg5[%add3A_218, %swap3A_245, %swap3A_246] : memref<64x32x32xf32, #tpu.memory_space<vmem>> -> memref<1x32x32xf32, #tpu.memory_space<vmem>>
          %swap3A_248 = tpu.memref_squeeze %swap3A_247 : memref<1x32x32xf32, #tpu.memory_space<vmem>> -> memref<32x32xf32, #tpu.memory_space<vmem>>
          %swap3A_249 = arith.constant 0 : i32
          %swap3A_250 = tpu.memref_slice %swap3A_248[%add3A_236, %swap3A_249] : memref<32x32xf32, #tpu.memory_space<vmem>> -> memref<1x32xf32, #tpu.memory_space<vmem>>
          %swap3A_251 = tpu.memref_squeeze %swap3A_250 : memref<1x32xf32, #tpu.memory_space<vmem>> -> memref<32xf32, #tpu.memory_space<vmem>>
          %swap3A_252 = arith.constant 16 : index
          %swap3A_253 = tpu.vector_load %swap3A_251[%swap3A_252] {strides = array<i32>} : memref<32xf32, #tpu.memory_space<vmem>>, vector<16xf32>,
          tpu.vector_store %swap3A_251[%swap3A_252], %gather3A_226 {strides = array<i32>} : memref<32xf32, #tpu.memory_space<vmem>>, vector<16xf32>,
        }
        %scan3A_231 = arith.constant 32 : i32
      }
      %scan3A_213 = arith.constant 64 : i32
    } else {
    }
    %ge3A = arith.constant 2 : i32
    %ge3A_36 = arith.cmpi sge, %select_n3A, %ge3A : i32
    %convert_element_type3A_37 = arith.extui %ge3A_36 : i1 to i32
    %cond3A_38 = arith.constant 0 : i32
    %cond3A_39 = arith.cmpi ne, %convert_element_type3A_37, %cond3A_38 : i32
    scf.if %cond3A_39 {
      %dma_start3A_198 = arith.constant 0 : i32
      %dma_start3A_199 = arith.constant 0 : i32
      %dma_start3A_200 = tpu.memref_slice %arg2[%dma_start3A_198, %dma_start3A_199] : memref<50x128xf32, #tpu.memory_space<hbm>> -> memref<32x128xf32, #tpu.memory_space<hbm>>
      %dma_start3A_201 = arith.constant 0 : i32
      %dma_start3A_202 = arith.constant 0 : i32
      %dma_start3A_203 = tpu.memref_slice %arg2[%dma_start3A_201, %dma_start3A_202] : memref<50x128xf32, #tpu.memory_space<hbm>> -> memref<32x128xf32, #tpu.memory_space<hbm>>
      tpu.enqueue_dma source(%dma_start3A_203 : memref<32x128xf32, #tpu.memory_space<hbm>>) target(%arg6 : memref<32x128xf32, #tpu.memory_space<vmem>>) target_semaphore(%arg7 : memref<!tpu.dma_semaphore, #tpu.memory_space<semaphore_mem>>)
      %dma_wait3A_204 = arith.constant 0 : i32
      %dma_wait3A_205 = arith.constant 0 : i32
      %dma_wait3A_206 = tpu.memref_slice %arg2[%dma_wait3A_204, %dma_wait3A_205] : memref<50x128xf32, #tpu.memory_space<hbm>> -> memref<32x128xf32, #tpu.memory_space<hbm>>
      %dma_wait3A_207 = arith.constant 0 : i32
      %dma_wait3A_208 = arith.constant 0 : i32
      %dma_wait3A_209 = tpu.memref_slice %arg2[%dma_wait3A_207, %dma_wait3A_208] : memref<50x128xf32, #tpu.memory_space<hbm>> -> memref<32x128xf32, #tpu.memory_space<hbm>>
      tpu.wait_dma2 semaphore(%arg7 : memref<!tpu.dma_semaphore, #tpu.memory_space<semaphore_mem>>) src(%dma_wait3A_209 : memref<32x128xf32, #tpu.memory_space<hbm>>) dst(%arg6 : memref<32x128xf32, #tpu.memory_space<vmem>>)
      %scan3A = arith.constant 0 : i32
      %scan3A_210 = arith.constant 64 : i32
      %scan3A_211 = arith.addi %scan3A, %scan3A_210 : i32
      %scan3A_212 = arith.constant 1 : i32
      scf.for %scan3A_214 = %scan3A to %scan3A_211 step %scan3A_212  : i32 {
        %mul3A_215 = arith.constant 1 : i32
        %mul3A_216 = arith.muli %scan3A_214, %mul3A_215 : i32
        %add3A_217 = arith.constant 0 : i32
        %add3A_218 = arith.addi %add3A_217, %mul3A_216 : i32
        %broadcast_in_dim3A = arith.constant 0 : i32
        %broadcast_in_dim3A_219 = vector.broadcast %broadcast_in_dim3A : i32 to vector<16xi32>
        %add3A_220 = arith.addi %mul3A_32, %add3A_218 : i32
        %sub3A_221 = arith.constant 128 : i32
        %sub3A_222 = arith.subi %add3A_220, %sub3A_221 : i32
        %add3A_223 = vector.broadcast %sub3A_222 : i32 to vector<16xi32>
        %add3A_224 = arith.addi %broadcast_in_dim3A_219, %add3A_223 : vector<16xi32>
        %scan3A_225 = arith.constant 0 : i32
        %scan3A_226 = arith.constant 32 : i32
        %scan3A_227 = arith.addi %scan3A_225, %scan3A_226 : i32
        %scan3A_228 = arith.constant 1 : i32
        scf.for %scan3A_230 = %scan3A_225 to %scan3A_227 step %scan3A_228  : i32 {
          %mul3A_231 = arith.constant 1 : i32
          %mul3A_232 = arith.muli %scan3A_230, %mul3A_231 : i32
          %add3A_233 = arith.constant 0 : i32
          %add3A_234 = arith.addi %add3A_233, %mul3A_232 : i32
          %broadcast_in_dim3A_235 = arith.constant 0 : i32
          %broadcast_in_dim3A_236 = vector.broadcast %broadcast_in_dim3A_235 : i32 to vector<16xi32>
          %add3A_237 = vector.broadcast %add3A_234 : i32 to vector<16xi32>
          %add3A_238 = arith.addi %broadcast_in_dim3A_236, %add3A_237 : vector<16xi32>
          %gather3A = tpu.vector_load_idx %arg6[%add3A_238, %add3A_224] : memref<32x128xf32, #tpu.memory_space<vmem>>[vector<16xi32>, vector<16xi32>], vector<16xf32>,
          %swap3A = arith.constant 0 : i32
          %swap3A_239 = arith.constant 0 : i32
          %swap3A_240 = tpu.memref_slice %arg5[%add3A_218, %swap3A, %swap3A_239] : memref<64x32x32xf32, #tpu.memory_space<vmem>> -> memref<1x32x32xf32, #tpu.memory_space<vmem>>
          %swap3A_241 = tpu.memref_squeeze %swap3A_240 : memref<1x32x32xf32, #tpu.memory_space<vmem>> -> memref<32x32xf32, #tpu.memory_space<vmem>>
          %swap3A_242 = arith.constant 0 : i32
          %swap3A_243 = tpu.memref_slice %swap3A_241[%add3A_234, %swap3A_242] : memref<32x32xf32, #tpu.memory_space<vmem>> -> memref<1x32xf32, #tpu.memory_space<vmem>>
          %swap3A_244 = tpu.memref_squeeze %swap3A_243 : memref<1x32xf32, #tpu.memory_space<vmem>> -> memref<32xf32, #tpu.memory_space<vmem>>
          %swap3A_245 = arith.constant 0 : index
          %swap3A_246 = tpu.vector_load %swap3A_244[%swap3A_245] {strides = array<i32>} : memref<32xf32, #tpu.memory_space<vmem>>, vector<16xf32>,
          tpu.vector_store %swap3A_244[%swap3A_245], %gather3A {strides = array<i32>} : memref<32xf32, #tpu.memory_space<vmem>>, vector<16xf32>,
          %swap3A_247 = arith.constant 0 : i32
          %swap3A_248 = arith.constant 0 : i32
          %swap3A_249 = tpu.memref_slice %arg5[%add3A_218, %swap3A_247, %swap3A_248] : memref<64x32x32xf32, #tpu.memory_space<vmem>> -> memref<1x32x32xf32, #tpu.memory_space<vmem>>
          %swap3A_250 = tpu.memref_squeeze %swap3A_249 : memref<1x32x32xf32, #tpu.memory_space<vmem>> -> memref<32x32xf32, #tpu.memory_space<vmem>>
          %swap3A_251 = arith.constant 0 : i32
          %swap3A_252 = tpu.memref_slice %swap3A_250[%add3A_234, %swap3A_251] : memref<32x32xf32, #tpu.memory_space<vmem>> -> memref<1x32xf32, #tpu.memory_space<vmem>>
          %swap3A_253 = tpu.memref_squeeze %swap3A_252 : memref<1x32xf32, #tpu.memory_space<vmem>> -> memref<32xf32, #tpu.memory_space<vmem>>
          %swap3A_254 = arith.constant 16 : index
          %swap3A_255 = tpu.vector_load %swap3A_253[%swap3A_254] {strides = array<i32>} : memref<32xf32, #tpu.memory_space<vmem>>, vector<16xf32>,
          tpu.vector_store %swap3A_253[%swap3A_254], %gather3A {strides = array<i32>} : memref<32xf32, #tpu.memory_space<vmem>>, vector<16xf32>,
        }
        %scan3A_229 = arith.constant 32 : i32
      }
      %scan3A_213 = arith.constant 64 : i32
    } else {
    }
    %mul3A_40 = arith.constant 8 : i32
    %mul3A_41 = arith.muli %select_n3A_30, %mul3A_40 : i32
    %add3A_42 = arith.constant 0 : i32
    %add3A_43 = arith.addi %mul3A_41, %add3A_42 : i32
    %mul3A_44 = arith.constant 8 : i32
    %mul3A_45 = arith.muli %select_n3A_30, %mul3A_44 : i32
    %add3A_46 = arith.constant 1 : i32
    %add3A_47 = arith.addi %mul3A_45, %add3A_46 : i32
    %mul3A_48 = arith.constant 8 : i32
    %mul3A_49 = arith.muli %select_n3A_30, %mul3A_48 : i32
    %add3A_50 = arith.constant 2 : i32
    %add3A_51 = arith.addi %mul3A_49, %add3A_50 : i32
    %mul3A_52 = arith.constant 8 : i32
    %mul3A_53 = arith.muli %select_n3A_30, %mul3A_52 : i32
    %add3A_54 = arith.constant 3 : i32
    %add3A_55 = arith.addi %mul3A_53, %add3A_54 : i32
    %mul3A_56 = arith.constant 8 : i32
    %mul3A_57 = arith.muli %select_n3A_30, %mul3A_56 : i32
    %add3A_58 = arith.constant 4 : i32
    %add3A_59 = arith.addi %mul3A_57, %add3A_58 : i32
    %mul3A_60 = arith.constant 8 : i32
    %mul3A_61 = arith.muli %select_n3A_30, %mul3A_60 : i32
    %add3A_62 = arith.constant 5 : i32
    %add3A_63 = arith.addi %mul3A_61, %add3A_62 : i32
    %mul3A_64 = arith.constant 8 : i32
    %mul3A_65 = arith.muli %select_n3A_30, %mul3A_64 : i32
    %add3A_66 = arith.constant 6 : i32
    %add3A_67 = arith.addi %mul3A_65, %add3A_66 : i32
    %mul3A_68 = arith.constant 8 : i32
    %mul3A_69 = arith.muli %select_n3A_30, %mul3A_68 : i32
    %add3A_70 = arith.constant 7 : i32
    %add3A_71 = arith.addi %mul3A_69, %add3A_70 : i32
    %dma_start3A = arith.constant 0 : i32
    %dma_start3A_72 = arith.constant 0 : i32
    %dma_start3A_73 = tpu.memref_slice %arg4[%add3A_43, %mul3A_32, %dma_start3A, %dma_start3A_72] : memref<64x256x32x32xf32, #tpu.memory_space<hbm>> -> memref<1x64x32x32xf32, #tpu.memory_space<hbm>>
    %dma_start3A_74 = tpu.memref_squeeze %dma_start3A_73 : memref<1x64x32x32xf32, #tpu.memory_space<hbm>> -> memref<64x32x32xf32, #tpu.memory_space<hbm>>
    %dma_start3A_75 = arith.constant 0 : i32
    %dma_start3A_76 = arith.constant 0 : i32
    %dma_start3A_77 = tpu.memref_slice %arg4[%add3A_43, %mul3A_32, %dma_start3A_75, %dma_start3A_76] : memref<64x256x32x32xf32, #tpu.memory_space<hbm>> -> memref<1x64x32x32xf32, #tpu.memory_space<hbm>>
    %dma_start3A_78 = tpu.memref_squeeze %dma_start3A_77 : memref<1x64x32x32xf32, #tpu.memory_space<hbm>> -> memref<64x32x32xf32, #tpu.memory_space<hbm>>
    tpu.enqueue_dma source(%arg5 : memref<64x32x32xf32, #tpu.memory_space<vmem>>) target(%dma_start3A_78 : memref<64x32x32xf32, #tpu.memory_space<hbm>>) target_semaphore(%arg7 : memref<!tpu.dma_semaphore, #tpu.memory_space<semaphore_mem>>)
    %dma_start3A_79 = arith.constant 0 : i32
    %dma_start3A_80 = arith.constant 0 : i32
    %dma_start3A_81 = tpu.memref_slice %arg4[%add3A_47, %mul3A_32, %dma_start3A_79, %dma_start3A_80] : memref<64x256x32x32xf32, #tpu.memory_space<hbm>> -> memref<1x64x32x32xf32, #tpu.memory_space<hbm>>
    %dma_start3A_82 = tpu.memref_squeeze %dma_start3A_81 : memref<1x64x32x32xf32, #tpu.memory_space<hbm>> -> memref<64x32x32xf32, #tpu.memory_space<hbm>>
    %dma_start3A_83 = arith.constant 0 : i32
    %dma_start3A_84 = arith.constant 0 : i32
    %dma_start3A_85 = tpu.memref_slice %arg4[%add3A_47, %mul3A_32, %dma_start3A_83, %dma_start3A_84] : memref<64x256x32x32xf32, #tpu.memory_space<hbm>> -> memref<1x64x32x32xf32, #tpu.memory_space<hbm>>
    %dma_start3A_86 = tpu.memref_squeeze %dma_start3A_85 : memref<1x64x32x32xf32, #tpu.memory_space<hbm>> -> memref<64x32x32xf32, #tpu.memory_space<hbm>>
    tpu.enqueue_dma source(%arg5 : memref<64x32x32xf32, #tpu.memory_space<vmem>>) target(%dma_start3A_86 : memref<64x32x32xf32, #tpu.memory_space<hbm>>) target_semaphore(%arg7 : memref<!tpu.dma_semaphore, #tpu.memory_space<semaphore_mem>>)
    %dma_start3A_87 = arith.constant 0 : i32
    %dma_start3A_88 = arith.constant 0 : i32
    %dma_start3A_89 = tpu.memref_slice %arg4[%add3A_51, %mul3A_32, %dma_start3A_87, %dma_start3A_88] : memref<64x256x32x32xf32, #tpu.memory_space<hbm>> -> memref<1x64x32x32xf32, #tpu.memory_space<hbm>>
    %dma_start3A_90 = tpu.memref_squeeze %dma_start3A_89 : memref<1x64x32x32xf32, #tpu.memory_space<hbm>> -> memref<64x32x32xf32, #tpu.memory_space<hbm>>
    %dma_start3A_91 = arith.constant 0 : i32
    %dma_start3A_92 = arith.constant 0 : i32
    %dma_start3A_93 = tpu.memref_slice %arg4[%add3A_51, %mul3A_32, %dma_start3A_91, %dma_start3A_92] : memref<64x256x32x32xf32, #tpu.memory_space<hbm>> -> memref<1x64x32x32xf32, #tpu.memory_space<hbm>>
    %dma_start3A_94 = tpu.memref_squeeze %dma_start3A_93 : memref<1x64x32x32xf32, #tpu.memory_space<hbm>> -> memref<64x32x32xf32, #tpu.memory_space<hbm>>
    tpu.enqueue_dma source(%arg5 : memref<64x32x32xf32, #tpu.memory_space<vmem>>) target(%dma_start3A_94 : memref<64x32x32xf32, #tpu.memory_space<hbm>>) target_semaphore(%arg7 : memref<!tpu.dma_semaphore, #tpu.memory_space<semaphore_mem>>)
    %dma_start3A_95 = arith.constant 0 : i32
    %dma_start3A_96 = arith.constant 0 : i32
    %dma_start3A_97 = tpu.memref_slice %arg4[%add3A_55, %mul3A_32, %dma_start3A_95, %dma_start3A_96] : memref<64x256x32x32xf32, #tpu.memory_space<hbm>> -> memref<1x64x32x32xf32, #tpu.memory_space<hbm>>
    %dma_start3A_98 = tpu.memref_squeeze %dma_start3A_97 : memref<1x64x32x32xf32, #tpu.memory_space<hbm>> -> memref<64x32x32xf32, #tpu.memory_space<hbm>>
    %dma_start3A_99 = arith.constant 0 : i32
    %dma_start3A_100 = arith.constant 0 : i32
    %dma_start3A_101 = tpu.memref_slice %arg4[%add3A_55, %mul3A_32, %dma_start3A_99, %dma_start3A_100] : memref<64x256x32x32xf32, #tpu.memory_space<hbm>> -> memref<1x64x32x32xf32, #tpu.memory_space<hbm>>
    %dma_start3A_102 = tpu.memref_squeeze %dma_start3A_101 : memref<1x64x32x32xf32, #tpu.memory_space<hbm>> -> memref<64x32x32xf32, #tpu.memory_space<hbm>>
    tpu.enqueue_dma source(%arg5 : memref<64x32x32xf32, #tpu.memory_space<vmem>>) target(%dma_start3A_102 : memref<64x32x32xf32, #tpu.memory_space<hbm>>) target_semaphore(%arg7 : memref<!tpu.dma_semaphore, #tpu.memory_space<semaphore_mem>>)
    %dma_start3A_103 = arith.constant 0 : i32
    %dma_start3A_104 = arith.constant 0 : i32
    %dma_start3A_105 = tpu.memref_slice %arg4[%add3A_59, %mul3A_32, %dma_start3A_103, %dma_start3A_104] : memref<64x256x32x32xf32, #tpu.memory_space<hbm>> -> memref<1x64x32x32xf32, #tpu.memory_space<hbm>>
    %dma_start3A_106 = tpu.memref_squeeze %dma_start3A_105 : memref<1x64x32x32xf32, #tpu.memory_space<hbm>> -> memref<64x32x32xf32, #tpu.memory_space<hbm>>
    %dma_start3A_107 = arith.constant 0 : i32
    %dma_start3A_108 = arith.constant 0 : i32
    %dma_start3A_109 = tpu.memref_slice %arg4[%add3A_59, %mul3A_32, %dma_start3A_107, %dma_start3A_108] : memref<64x256x32x32xf32, #tpu.memory_space<hbm>> -> memref<1x64x32x32xf32, #tpu.memory_space<hbm>>
    %dma_start3A_110 = tpu.memref_squeeze %dma_start3A_109 : memref<1x64x32x32xf32, #tpu.memory_space<hbm>> -> memref<64x32x32xf32, #tpu.memory_space<hbm>>
    tpu.enqueue_dma source(%arg5 : memref<64x32x32xf32, #tpu.memory_space<vmem>>) target(%dma_start3A_110 : memref<64x32x32xf32, #tpu.memory_space<hbm>>) target_semaphore(%arg7 : memref<!tpu.dma_semaphore, #tpu.memory_space<semaphore_mem>>)
    %dma_start3A_111 = arith.constant 0 : i32
    %dma_start3A_112 = arith.constant 0 : i32
    %dma_start3A_113 = tpu.memref_slice %arg4[%add3A_63, %mul3A_32, %dma_start3A_111, %dma_start3A_112] : memref<64x256x32x32xf32, #tpu.memory_space<hbm>> -> memref<1x64x32x32xf32, #tpu.memory_space<hbm>>
    %dma_start3A_114 = tpu.memref_squeeze %dma_start3A_113 : memref<1x64x32x32xf32, #tpu.memory_space<hbm>> -> memref<64x32x32xf32, #tpu.memory_space<hbm>>
    %dma_start3A_115 = arith.constant 0 : i32
    %dma_start3A_116 = arith.constant 0 : i32
    %dma_start3A_117 = tpu.memref_slice %arg4[%add3A_63, %mul3A_32, %dma_start3A_115, %dma_start3A_116] : memref<64x256x32x32xf32, #tpu.memory_space<hbm>> -> memref<1x64x32x32xf32, #tpu.memory_space<hbm>>
    %dma_start3A_118 = tpu.memref_squeeze %dma_start3A_117 : memref<1x64x32x32xf32, #tpu.memory_space<hbm>> -> memref<64x32x32xf32, #tpu.memory_space<hbm>>
    tpu.enqueue_dma source(%arg5 : memref<64x32x32xf32, #tpu.memory_space<vmem>>) target(%dma_start3A_118 : memref<64x32x32xf32, #tpu.memory_space<hbm>>) target_semaphore(%arg7 : memref<!tpu.dma_semaphore, #tpu.memory_space<semaphore_mem>>)
    %dma_start3A_119 = arith.constant 0 : i32
    %dma_start3A_120 = arith.constant 0 : i32
    %dma_start3A_121 = tpu.memref_slice %arg4[%add3A_67, %mul3A_32, %dma_start3A_119, %dma_start3A_120] : memref<64x256x32x32xf32, #tpu.memory_space<hbm>> -> memref<1x64x32x32xf32, #tpu.memory_space<hbm>>
    %dma_start3A_122 = tpu.memref_squeeze %dma_start3A_121 : memref<1x64x32x32xf32, #tpu.memory_space<hbm>> -> memref<64x32x32xf32, #tpu.memory_space<hbm>>
    %dma_start3A_123 = arith.constant 0 : i32
    %dma_start3A_124 = arith.constant 0 : i32
    %dma_start3A_125 = tpu.memref_slice %arg4[%add3A_67, %mul3A_32, %dma_start3A_123, %dma_start3A_124] : memref<64x256x32x32xf32, #tpu.memory_space<hbm>> -> memref<1x64x32x32xf32, #tpu.memory_space<hbm>>
    %dma_start3A_126 = tpu.memref_squeeze %dma_start3A_125 : memref<1x64x32x32xf32, #tpu.memory_space<hbm>> -> memref<64x32x32xf32, #tpu.memory_space<hbm>>
    tpu.enqueue_dma source(%arg5 : memref<64x32x32xf32, #tpu.memory_space<vmem>>) target(%dma_start3A_126 : memref<64x32x32xf32, #tpu.memory_space<hbm>>) target_semaphore(%arg7 : memref<!tpu.dma_semaphore, #tpu.memory_space<semaphore_mem>>)
    %dma_start3A_127 = arith.constant 0 : i32
    %dma_start3A_128 = arith.constant 0 : i32
    %dma_start3A_129 = tpu.memref_slice %arg4[%add3A_71, %mul3A_32, %dma_start3A_127, %dma_start3A_128] : memref<64x256x32x32xf32, #tpu.memory_space<hbm>> -> memref<1x64x32x32xf32, #tpu.memory_space<hbm>>
    %dma_start3A_130 = tpu.memref_squeeze %dma_start3A_129 : memref<1x64x32x32xf32, #tpu.memory_space<hbm>> -> memref<64x32x32xf32, #tpu.memory_space<hbm>>
    %dma_start3A_131 = arith.constant 0 : i32
    %dma_start3A_132 = arith.constant 0 : i32
    %dma_start3A_133 = tpu.memref_slice %arg4[%add3A_71, %mul3A_32, %dma_start3A_131, %dma_start3A_132] : memref<64x256x32x32xf32, #tpu.memory_space<hbm>> -> memref<1x64x32x32xf32, #tpu.memory_space<hbm>>
    %dma_start3A_134 = tpu.memref_squeeze %dma_start3A_133 : memref<1x64x32x32xf32, #tpu.memory_space<hbm>> -> memref<64x32x32xf32, #tpu.memory_space<hbm>>
    tpu.enqueue_dma source(%arg5 : memref<64x32x32xf32, #tpu.memory_space<vmem>>) target(%dma_start3A_134 : memref<64x32x32xf32, #tpu.memory_space<hbm>>) target_semaphore(%arg7 : memref<!tpu.dma_semaphore, #tpu.memory_space<semaphore_mem>>)
    %dma_wait3A = arith.constant 0 : i32
    %dma_wait3A_135 = arith.constant 0 : i32
    %dma_wait3A_136 = tpu.memref_slice %arg4[%add3A_43, %mul3A_32, %dma_wait3A, %dma_wait3A_135] : memref<64x256x32x32xf32, #tpu.memory_space<hbm>> -> memref<1x64x32x32xf32, #tpu.memory_space<hbm>>
    %dma_wait3A_137 = tpu.memref_squeeze %dma_wait3A_136 : memref<1x64x32x32xf32, #tpu.memory_space<hbm>> -> memref<64x32x32xf32, #tpu.memory_space<hbm>>
    %dma_wait3A_138 = arith.constant 0 : i32
    %dma_wait3A_139 = arith.constant 0 : i32
    %dma_wait3A_140 = tpu.memref_slice %arg4[%add3A_43, %mul3A_32, %dma_wait3A_138, %dma_wait3A_139] : memref<64x256x32x32xf32, #tpu.memory_space<hbm>> -> memref<1x64x32x32xf32, #tpu.memory_space<hbm>>
    %dma_wait3A_141 = tpu.memref_squeeze %dma_wait3A_140 : memref<1x64x32x32xf32, #tpu.memory_space<hbm>> -> memref<64x32x32xf32, #tpu.memory_space<hbm>>
    tpu.wait_dma2 semaphore(%arg7 : memref<!tpu.dma_semaphore, #tpu.memory_space<semaphore_mem>>) src(%arg5 : memref<64x32x32xf32, #tpu.memory_space<vmem>>) dst(%dma_wait3A_141 : memref<64x32x32xf32, #tpu.memory_space<hbm>>)
    %dma_wait3A_142 = arith.constant 0 : i32
    %dma_wait3A_143 = arith.constant 0 : i32
    %dma_wait3A_144 = tpu.memref_slice %arg4[%add3A_47, %mul3A_32, %dma_wait3A_142, %dma_wait3A_143] : memref<64x256x32x32xf32, #tpu.memory_space<hbm>> -> memref<1x64x32x32xf32, #tpu.memory_space<hbm>>
    %dma_wait3A_145 = tpu.memref_squeeze %dma_wait3A_144 : memref<1x64x32x32xf32, #tpu.memory_space<hbm>> -> memref<64x32x32xf32, #tpu.memory_space<hbm>>
    %dma_wait3A_146 = arith.constant 0 : i32
    %dma_wait3A_147 = arith.constant 0 : i32
    %dma_wait3A_148 = tpu.memref_slice %arg4[%add3A_47, %mul3A_32, %dma_wait3A_146, %dma_wait3A_147] : memref<64x256x32x32xf32, #tpu.memory_space<hbm>> -> memref<1x64x32x32xf32, #tpu.memory_space<hbm>>
    %dma_wait3A_149 = tpu.memref_squeeze %dma_wait3A_148 : memref<1x64x32x32xf32, #tpu.memory_space<hbm>> -> memref<64x32x32xf32, #tpu.memory_space<hbm>>
    tpu.wait_dma2 semaphore(%arg7 : memref<!tpu.dma_semaphore, #tpu.memory_space<semaphore_mem>>) src(%arg5 : memref<64x32x32xf32, #tpu.memory_space<vmem>>) dst(%dma_wait3A_149 : memref<64x32x32xf32, #tpu.memory_space<hbm>>)
    %dma_wait3A_150 = arith.constant 0 : i32
    %dma_wait3A_151 = arith.constant 0 : i32
    %dma_wait3A_152 = tpu.memref_slice %arg4[%add3A_51, %mul3A_32, %dma_wait3A_150, %dma_wait3A_151] : memref<64x256x32x32xf32, #tpu.memory_space<hbm>> -> memref<1x64x32x32xf32, #tpu.memory_space<hbm>>
    %dma_wait3A_153 = tpu.memref_squeeze %dma_wait3A_152 : memref<1x64x32x32xf32, #tpu.memory_space<hbm>> -> memref<64x32x32xf32, #tpu.memory_space<hbm>>
    %dma_wait3A_154 = arith.constant 0 : i32
    %dma_wait3A_155 = arith.constant 0 : i32
    %dma_wait3A_156 = tpu.memref_slice %arg4[%add3A_51, %mul3A_32, %dma_wait3A_154, %dma_wait3A_155] : memref<64x256x32x32xf32, #tpu.memory_space<hbm>> -> memref<1x64x32x32xf32, #tpu.memory_space<hbm>>
    %dma_wait3A_157 = tpu.memref_squeeze %dma_wait3A_156 : memref<1x64x32x32xf32, #tpu.memory_space<hbm>> -> memref<64x32x32xf32, #tpu.memory_space<hbm>>
    tpu.wait_dma2 semaphore(%arg7 : memref<!tpu.dma_semaphore, #tpu.memory_space<semaphore_mem>>) src(%arg5 : memref<64x32x32xf32, #tpu.memory_space<vmem>>) dst(%dma_wait3A_157 : memref<64x32x32xf32, #tpu.memory_space<hbm>>)
    %dma_wait3A_158 = arith.constant 0 : i32
    %dma_wait3A_159 = arith.constant 0 : i32
    %dma_wait3A_160 = tpu.memref_slice %arg4[%add3A_55, %mul3A_32, %dma_wait3A_158, %dma_wait3A_159] : memref<64x256x32x32xf32, #tpu.memory_space<hbm>> -> memref<1x64x32x32xf32, #tpu.memory_space<hbm>>
    %dma_wait3A_161 = tpu.memref_squeeze %dma_wait3A_160 : memref<1x64x32x32xf32, #tpu.memory_space<hbm>> -> memref<64x32x32xf32, #tpu.memory_space<hbm>>
    %dma_wait3A_162 = arith.constant 0 : i32
    %dma_wait3A_163 = arith.constant 0 : i32
    %dma_wait3A_164 = tpu.memref_slice %arg4[%add3A_55, %mul3A_32, %dma_wait3A_162, %dma_wait3A_163] : memref<64x256x32x32xf32, #tpu.memory_space<hbm>> -> memref<1x64x32x32xf32, #tpu.memory_space<hbm>>
    %dma_wait3A_165 = tpu.memref_squeeze %dma_wait3A_164 : memref<1x64x32x32xf32, #tpu.memory_space<hbm>> -> memref<64x32x32xf32, #tpu.memory_space<hbm>>
    tpu.wait_dma2 semaphore(%arg7 : memref<!tpu.dma_semaphore, #tpu.memory_space<semaphore_mem>>) src(%arg5 : memref<64x32x32xf32, #tpu.memory_space<vmem>>) dst(%dma_wait3A_165 : memref<64x32x32xf32, #tpu.memory_space<hbm>>)
    %dma_wait3A_166 = arith.constant 0 : i32
    %dma_wait3A_167 = arith.constant 0 : i32
    %dma_wait3A_168 = tpu.memref_slice %arg4[%add3A_59, %mul3A_32, %dma_wait3A_166, %dma_wait3A_167] : memref<64x256x32x32xf32, #tpu.memory_space<hbm>> -> memref<1x64x32x32xf32, #tpu.memory_space<hbm>>
    %dma_wait3A_169 = tpu.memref_squeeze %dma_wait3A_168 : memref<1x64x32x32xf32, #tpu.memory_space<hbm>> -> memref<64x32x32xf32, #tpu.memory_space<hbm>>
    %dma_wait3A_170 = arith.constant 0 : i32
    %dma_wait3A_171 = arith.constant 0 : i32
    %dma_wait3A_172 = tpu.memref_slice %arg4[%add3A_59, %mul3A_32, %dma_wait3A_170, %dma_wait3A_171] : memref<64x256x32x32xf32, #tpu.memory_space<hbm>> -> memref<1x64x32x32xf32, #tpu.memory_space<hbm>>
    %dma_wait3A_173 = tpu.memref_squeeze %dma_wait3A_172 : memref<1x64x32x32xf32, #tpu.memory_space<hbm>> -> memref<64x32x32xf32, #tpu.memory_space<hbm>>
    tpu.wait_dma2 semaphore(%arg7 : memref<!tpu.dma_semaphore, #tpu.memory_space<semaphore_mem>>) src(%arg5 : memref<64x32x32xf32, #tpu.memory_space<vmem>>) dst(%dma_wait3A_173 : memref<64x32x32xf32, #tpu.memory_space<hbm>>)
    %dma_wait3A_174 = arith.constant 0 : i32
    %dma_wait3A_175 = arith.constant 0 : i32
    %dma_wait3A_176 = tpu.memref_slice %arg4[%add3A_63, %mul3A_32, %dma_wait3A_174, %dma_wait3A_175] : memref<64x256x32x32xf32, #tpu.memory_space<hbm>> -> memref<1x64x32x32xf32, #tpu.memory_space<hbm>>
    %dma_wait3A_177 = tpu.memref_squeeze %dma_wait3A_176 : memref<1x64x32x32xf32, #tpu.memory_space<hbm>> -> memref<64x32x32xf32, #tpu.memory_space<hbm>>
    %dma_wait3A_178 = arith.constant 0 : i32
    %dma_wait3A_179 = arith.constant 0 : i32
    %dma_wait3A_180 = tpu.memref_slice %arg4[%add3A_63, %mul3A_32, %dma_wait3A_178, %dma_wait3A_179] : memref<64x256x32x32xf32, #tpu.memory_space<hbm>> -> memref<1x64x32x32xf32, #tpu.memory_space<hbm>>
    %dma_wait3A_181 = tpu.memref_squeeze %dma_wait3A_180 : memref<1x64x32x32xf32, #tpu.memory_space<hbm>> -> memref<64x32x32xf32, #tpu.memory_space<hbm>>
    tpu.wait_dma2 semaphore(%arg7 : memref<!tpu.dma_semaphore, #tpu.memory_space<semaphore_mem>>) src(%arg5 : memref<64x32x32xf32, #tpu.memory_space<vmem>>) dst(%dma_wait3A_181 : memref<64x32x32xf32, #tpu.memory_space<hbm>>)
    %dma_wait3A_182 = arith.constant 0 : i32
    %dma_wait3A_183 = arith.constant 0 : i32
    %dma_wait3A_184 = tpu.memref_slice %arg4[%add3A_67, %mul3A_32, %dma_wait3A_182, %dma_wait3A_183] : memref<64x256x32x32xf32, #tpu.memory_space<hbm>> -> memref<1x64x32x32xf32, #tpu.memory_space<hbm>>
    %dma_wait3A_185 = tpu.memref_squeeze %dma_wait3A_184 : memref<1x64x32x32xf32, #tpu.memory_space<hbm>> -> memref<64x32x32xf32, #tpu.memory_space<hbm>>
    %dma_wait3A_186 = arith.constant 0 : i32
    %dma_wait3A_187 = arith.constant 0 : i32
    %dma_wait3A_188 = tpu.memref_slice %arg4[%add3A_67, %mul3A_32, %dma_wait3A_186, %dma_wait3A_187] : memref<64x256x32x32xf32, #tpu.memory_space<hbm>> -> memref<1x64x32x32xf32, #tpu.memory_space<hbm>>
    %dma_wait3A_189 = tpu.memref_squeeze %dma_wait3A_188 : memref<1x64x32x32xf32, #tpu.memory_space<hbm>> -> memref<64x32x32xf32, #tpu.memory_space<hbm>>
    tpu.wait_dma2 semaphore(%arg7 : memref<!tpu.dma_semaphore, #tpu.memory_space<semaphore_mem>>) src(%arg5 : memref<64x32x32xf32, #tpu.memory_space<vmem>>) dst(%dma_wait3A_189 : memref<64x32x32xf32, #tpu.memory_space<hbm>>)
    %dma_wait3A_190 = arith.constant 0 : i32
    %dma_wait3A_191 = arith.constant 0 : i32
    %dma_wait3A_192 = tpu.memref_slice %arg4[%add3A_71, %mul3A_32, %dma_wait3A_190, %dma_wait3A_191] : memref<64x256x32x32xf32, #tpu.memory_space<hbm>> -> memref<1x64x32x32xf32, #tpu.memory_space<hbm>>
    %dma_wait3A_193 = tpu.memref_squeeze %dma_wait3A_192 : memref<1x64x32x32xf32, #tpu.memory_space<hbm>> -> memref<64x32x32xf32, #tpu.memory_space<hbm>>
    %dma_wait3A_194 = arith.constant 0 : i32
    %dma_wait3A_195 = arith.constant 0 : i32
    %dma_wait3A_196 = tpu.memref_slice %arg4[%add3A_71, %mul3A_32, %dma_wait3A_194, %dma_wait3A_195] : memref<64x256x32x32xf32, #tpu.memory_space<hbm>> -> memref<1x64x32x32xf32, #tpu.memory_space<hbm>>
    %dma_wait3A_197 = tpu.memref_squeeze %dma_wait3A_196 : memref<1x64x32x32xf32, #tpu.memory_space<hbm>> -> memref<64x32x32xf32, #tpu.memory_space<hbm>>
    tpu.wait_dma2 semaphore(%arg7 : memref<!tpu.dma_semaphore, #tpu.memory_space<semaphore_mem>>) src(%arg5 : memref<64x32x32xf32, #tpu.memory_space<vmem>>) dst(%dma_wait3A_197 : memref<64x32x32xf32, #tpu.memory_space<hbm>>)
    return
  }
}

</mosaic_0001>

<sc_bundles>
// kernel: kernel.3.cloned.1.call-start
scs
__scs_entry_jumppad:
0x0: {  	(pc) =	sbr.rel $0x88, $3  }
0x1: {  	(tag) =	ssettag $0x0;
	lr =	simm.s32 $0x1  }
0x2: {  	[smem:$0x3F9F] =	sst lr;
	_ =	strace $0xD0000000  }
0x3: {  	_ = 	snop  }
0x4: {  	_ = 	snop  }
0x5: {  	_ = 	snop  }
0x6: {  	_ = 	snop  }
0x7: {  	_ = 	snop  }
__scs_overlays_trampoline_lowered:
0x8: {  	[smem:$0x3FAE] =	sst s0  }
0x9: {  	[smem:$0x3FAF] =	sst s1  }
0xa: {  	[smem:$0x3FB0] =	sst s2  }
0xb: {  	[smem:$0x3FB1] =	sst s3  }
0xc: {  	[smem:$0x3FB2] =	sst s4  }
0xd: {  	[smem:$0x3FB3] =	sst s5  }
0xe: {  	[smem:$0x3FB4] =	sst s6  }
0xf: {  	[smem:$0x3FB5] =	sst s7  }
0x10: {  	[smem:$0x3FB6] =	sst s8  }
0x11: {  	[smem:$0x3FB7] =	sst s9;
	s0 =	simm.s32 @!p0 $0x0  }
0x12: {  	s1 =	sld [smem:$0x3F9D];
	s0 =	simm.s32 @p0 $0x1  }
0x13: {  	[smem:$0x3FB8] =	sst s0;
	s0 =	simm.s32 @!p1 $0x0  }
0x14: {  	s2 =	sld [smem:$0x3F9C];
	s0 =	simm.s32 @p1 $0x1  }
0x15: {  	[smem:$0x3FB9] =	sst s0;
	s0 =	simm.s32 @!p2 $0x0  }
0x16: {  	s3 =	sld [smem:$0x3FDB];
	s0 =	simm.s32 @p2 $0x1  }
0x17: {  	s4 =	simm.s32 $0x1BF5;
	[smem:$0x3FBB] =	sst s0  }
0x18: {  	s0 =	sld [smem:$0x3F9E];
	_ =	swait.ge [sflag:s4], $0x0  }
0x19: {  	s7 =	sld [smem:$0x3F9F]  }
0x1a: {  	s8 =	sadd.s32 $0xFFFFE003, lr  }
0x1b: {  	s9 =	sadd.s32 $0xFFFFFEF7, lr;
	s5 =	simm.s32 $0xFFFFFFFF;
	p2 =	slt.u32 s8, $0xFFFFF086  }
0x1c: {  	p1 =	slt.u32 s9, $0xF7A;
	s5 =	simm.s32 @!p2 $0x0  }
0x1d: {  	s5 =	simm.s32 @p1 $0x1;
	p0 =	seq.s32 s7, s2  }
0x1e: {  	s7 =	smul.u32 @!p0 $0xF7A, s2;
	p2 =	seq.s32 @!p0 s5, $0x0  }
0x1f: {  	s9 =	smul.u32 $0xF7A, s1;
	s8 =	simm.s32 @!p0 $0x1BF5;
	p2 =	por !p2, p0  }
0x20: {  	[sflag:s8] =	ssyncset.s32 @!p0 $0xFFFFF086;
	s6 =	sadd.s32 @!p0 s3, s7;
	s7 =	simm.s32 @!p0 $0x108  }
0x21: {  	s3 =	sadd.s32 s3, s9;
	s6 =	sadd.s32 @!p0 $0x88, s6;
	s7 =	simm.s32 @p2 $0x1082  }
0x22: {  	[simem:s7], [sflag:s8] =	dma.local @!p0 [hbm:s6], $0xF7A  }
0x23: {  	s9 =	sor.u32 $0xD0000000, s2;
	s6 =	simm.s32 $0x108;
	_ =	swait.ge @!p0 [sflag:s8], $0x0  }
0x24: {  	s3 =	sadd.s32 $0x88, s3;
	s6 =	simm.s32 @!p1 $0x1082;
	[sflag:s4] =	ssyncset.s32 $0xFFFFF086  }
0x25: {  	[simem:s6], [sflag:s4] =	dma.local [hbm:s3], $0xF7A  }
0x26: {  	[smem:$0x3F9F] =	sst s1;
	(tag) =	ssettag s2;
	_ =	strace s9  }
0x27: {  	s1 =	sld [smem:$0x3FAF]  }
0x28: {  	s2 =	sld [smem:$0x3FB0]  }
0x29: {  	s4 =	sld [smem:$0x3FB2]  }
0x2a: {  	p0 =	seq.s32 s5, $0x0;
	s5 =	sld [smem:$0x3FB3]  }
0x2b: {  	s6 =	sld [smem:$0x3FB4]  }
0x2c: {  	s7 =	sld [smem:$0x3FB5]  }
0x2d: {  	s3 =	simm.s32 $0x108;
	s8 =	sld [smem:$0x3FB6]  }
0x2e: {  	s3 =	simm.s32 @!p0 $0x1082;
	s9 =	sld [smem:$0x3FB7]  }
0x2f: {  	lr =	sadd.s32 s0, s3;
	s0 =	sld [smem:$0x3FAE]  }
0x30: {  	s3 =	sld [smem:$0x3FB1]  }
0x31: {  	[smem:$0x3FBA] =	sst s10  }
0x32: {  	s10 =	sld [smem:$0x3FB8];
	_ =	sdelay $0x3  }
0x33: {  	p0 =	seq.s32 s10, $0x1;
	s10 =	sld [smem:$0x3FBA];
	_ =	sdelay $0x3  }
0x34: {  	[smem:$0x3FBA] =	sst s10  }
0x35: {  	s10 =	sld [smem:$0x3FB9];
	_ =	sdelay $0x3  }
0x36: {  	p1 =	seq.s32 s10, $0x1;
	s10 =	sld [smem:$0x3FBA];
	_ =	sdelay $0x3  }
0x37: {  	[smem:$0x3FBA] =	sst s10  }
0x38: {  	s10 =	sld [smem:$0x3FBB]  }
0x39: {  	_ = 	snop;
	(pc) =	sbr.ind lr, $3  }
0x3a: {  	_ = 	snop  }
0x3b: {  	_ = 	snop  }
0x3c: {  	p2 =	seq.s32 s10, $0x1;
	s10 =	sld [smem:$0x3FBA]  }
0x3d: {  	_ =	shalt  }
0x3e: {  	_ =	shalt  }
0x3f: {  	_ =	shalt  }
0x40: {  	_ =	shalt  }
0x41: {  	_ =	shalt  }
0x42: {  	_ =	shalt  }
0x43: {  	_ =	shalt  }
0x44: {  	_ =	shalt  }
0x45: {  	_ =	shalt  }
0x46: {  	_ =	shalt  }
0x47: {  	_ =	shalt  }
0x48: {  	_ =	shalt  }
0x49: {  	_ =	shalt  }
0x4a: {  	_ =	shalt  }
0x4b: {  	_ =	shalt  }
0x4c: {  	_ =	shalt  }
0x4d: {  	_ =	shalt  }
0x4e: {  	_ =	shalt  }
0x4f: {  	_ =	shalt  }
0x50: {  	_ =	shalt  }
0x51: {  	_ =	shalt  }
0x52: {  	_ =	shalt  }
0x53: {  	_ =	shalt  }
0x54: {  	_ =	shalt  }
0x55: {  	_ =	shalt  }
0x56: {  	_ =	shalt  }
0x57: {  	_ =	shalt  }
0x58: {  	_ =	shalt  }
0x59: {  	_ =	shalt  }
0x5a: {  	_ =	shalt  }
0x5b: {  	_ =	shalt  }
0x5c: {  	_ =	shalt  }
0x5d: {  	_ =	shalt  }
0x5e: {  	_ =	shalt  }
0x5f: {  	_ =	shalt  }
0x60: {  	_ =	shalt  }
0x61: {  	_ =	shalt  }
0x62: {  	_ =	shalt  }
0x63: {  	_ =	shalt  }
0x64: {  	_ =	shalt  }
0x65: {  	_ =	shalt  }
0x66: {  	_ =	shalt  }
0x67: {  	_ =	shalt  }
0x68: {  	_ =	shalt  }
0x69: {  	_ =	shalt  }
0x6a: {  	_ =	shalt  }
0x6b: {  	_ =	shalt  }
0x6c: {  	_ =	shalt  }
0x6d: {  	_ =	shalt  }
0x6e: {  	_ =	shalt  }
0x6f: {  	_ =	shalt  }
0x70: {  	_ =	shalt  }
0x71: {  	_ =	shalt  }
0x72: {  	_ =	shalt  }
0x73: {  	_ =	shalt  }
0x74: {  	_ =	shalt  }
0x75: {  	_ =	shalt  }
0x76: {  	_ =	shalt  }
0x77: {  	_ =	shalt  }
0x78: {  	_ =	shalt  }
0x79: {  	_ =	shalt  }
0x7a: {  	_ =	shalt  }
0x7b: {  	_ =	shalt  }
0x7c: {  	_ =	shalt  }
0x7d: {  	_ =	shalt  }
0x7e: {  	_ =	shalt  }
0x7f: {  	_ =	shalt  }
0x80: {  	_ =	shalt  }
0x81: {  	_ =	shalt  }
0x82: {  	_ =	shalt  }
0x83: {  	_ =	shalt  }
0x84: {  	_ =	shalt  }
0x85: {  	_ =	shalt  }
0x86: {  	_ =	shalt  }
0x87: {  	_ =	shalt  }
.Lfunc_end0:
.L_simem_size_0:
called_computation.1_lowered:
.L_overlay_start_0:
0x88: {  	s2 =	sld [smem:$0x3FD9]  }
0x89: {  	s3 =	sld [smem:$0x3FFE];
	_ =	sdelay $0x1  }
0x8a: {  	s1 =	srdreg.scid  }
0x8b: {  	s0 =	sand.u32 $0x1, s1  }
0x8c: {  	s18 =	sshll.u32 s0, $0xA;
	s2 =	sadd.s32 s3, s2  }
0x8d: {  	s2 =	sadd.s32 s2, s18  }
0x8e: {  	[smem:$0x3FC6] =	sst s2  }
0x8f: {  	_ = 	snop  }
0x90: {  	s2 =	sld [smem:$0x3FC9]  }
0x91: {  	s19 =	sld [smem:$0x3FC8]  }
0x92: {  	s4 =	sld [smem:$0x3FD0];
	(tm) =	ssettm $0x1  }
0x93: {  	s5 =	sld [smem:$0x3FFB];
	_ =	sdelay $0x3  }
0x94: {  	_ =	strace s5  }
0x95: {  	s5 =	sld [smem:$0x3FFC];
	_ =	sdelay $0x3  }
0x96: {  	_ =	strace s5  }
0x97: {  	s5 =	sld [smem:$0x3FFD];
	_ =	sdelay $0x3  }
0x98: {  	_ =	strace s5  }
0x99: {  	_ =	strace $0x8FFFFFFF  }
0x9a: {  	s20 =	sld [smem:$0x3FDB];
	_ =	sdelay $0x1  }
0x9b: {  	s6 =	simm.s32 $_scs_section_size  }
0x9c: {  	s7 =	simm.s32 $_size__tile_overlayer_lowered;
	s8 =	simm.s32 $_tile_overlayer_lowered  }
0x9d: {  	s23 =	simm.s32 $0x1BFF;
	s22 =	sshll.u32 s8, $0x1;
	s5 =	sadd.s32 s6, s20  }
0x9e: {  	s9 =	simm.s32 $0x0;
	s21 =	sshll.u32 s7, $0x1;
	s7 =	sadd.s32 s22, s5  }
0x9f: {  	[timem:s9], [sflag:s23] =	dma.local [hbm:s7], s21  }
0xa0: {  	_ =	swait.ge [sflag:s23], s21  }
0xa1: {  	s6 =	ssub.s32 $0x0, s21;
	[sflag:s23] =	ssyncset.done $0x0  }
0xa2: {  	[sflag:s23] =	ssyncadd.s32 s6;
	_ =	sdelay $0x1  }
0xa3: {  	s24 =	simm.s32 $0x1B8B  }
0xa4: {  	_ =	swait.ge [sflag:s24], $0x1  }
0xa5: {  	[sflag:s24] =	ssyncset.done $0x0  }
0xa6: {  	s25 =	simm.s32 $0x1B8E;
	[sflag:s24] =	ssyncadd.s32 $0xFFFFFFFF  }
0xa7: {  	s26 =	simm.s32 $execute0_lowered;
	[smem:$0x3FD2] =	sst s25  }
0xa8: {  	s6 =	sshll.u32 s26, $0x1;
	_ =	strace $0x80000046;
	[dreg:$0x1] =	wrdreg $0xFFFFFFFF  }
0xa9: {  	s28 =	simm.s32 $_size_execute0_lowered;
	s5 =	sadd.s32 s5, s6;
	[dreg:$0x0] =	wrdreg $0x0  }
0xaa: {  	s6 =	sshll.u32 s28, $0x1;
	[dreg:$0x2] =	wrdreg s5  }
0xab: {  	[dreg:$0x3] =	wrdreg s6  }
0xac: {  	[dreg:$0x4] =	wrdreg $0xC0  }
0xad: {  	_ =	task [dreg:s9], $0x5FFFF  }
0xae: {  	[dreg:$0x1] =	wrdreg $0xFFFFFFFF  }
0xaf: {  	[dreg:$0x0] =	wrdreg $0x60  }
0xb0: {  	[dreg:$0x2] =	wrdreg s2  }
0xb1: {  	[dreg:$0x3] =	wrdreg s19  }
0xb2: {  	[dreg:$0x4] =	wrdreg s4  }
0xb3: {  	[dreg:$0x5] =	wrdreg $0x9  }
0xb4: {  	_ =	task.clear_ibuf [dreg:s9], $0x6FFFF;
	_ =	strace $0x90000046  }
0xb5: {  	s29 =	simm.s32 $0x9;
	_ =	strace $0x80000048  }
0xb6: {  	_ =	swait.ge [sflag:s29], $0x1  }
0xb7: {  	[sflag:s29] =	ssyncadd.s32 $0xFFFFFFFF  }
0xb8: {  	_ =	strace $0x90000048  }
0xb9: {  	_ =	sfence  }
0xba: {  	s30 =	sld [smem:$0x0];
	_ =	sdelay $0x2  }
0xbb: {  	s31 =	sshll.u32 s1, $0xD;
	s1 =	sshrl.u32 s1, $0x2  }
0xbc: {  	s3 =	sand.u32 $0x4000, s31;
	s1 =	sadd.s32 s1, s30  }
0xbd: {  	s0 =	sor.u32 s3, s0;
	s1 =	sshll.u32 s1, $0x11  }
0xbe: {  	s0 =	sor.u32 s1, s0  }
0xbf: {  	s0 =	sadd.s32 $0x8F2B, s0  }
0xc0: {  	[sflag:s0] =	ssyncadd.remote.s32 $0x1  }
0xc1: {  	_ =	sfence.sel $0xFFFF  }
0xc2: {  	[dreg:$0x0] =	wrdreg $0xFFFFFFFF;
	(pc) =	sbr.abs _section_cstart, $3  }
0xc3: {  	[dreg:$0x1] =	wrdreg $0xFFFFFFFF  }
0xc4: {  	_ =	task.clear_ibuf [dreg:s9], $0x2FFFF;
	_ =	strace $0x9FFFFFFF  }
0xc5: {  	(tm) =	ssettm $0x7FFFFFFF  }
tec
execute0_lowered:
.L_overlay_start_1:
0x0: {  	(tag) =	ssettag $0x1  }
0x1: {  	s0 =	rddreg [dreg:$0x0]  }
0x2: {  	s3 =	rddreg [dreg:$0x1]  }
0x3: {  	s1 =	srdreg.scid;
	s14 =	rddreg [dreg:$0x2]  }
0x4: {  	s2 =	stileid.u32;
	s7 =	simm.s32 $0x1;
	s18 =	simm.s32 $0xFFFFFFFF  }
0x5: {  	s5 =	sand.u32 $0x1, s1;
	s1 =	rddreg [dreg:$0x3];
	s6 =	sand.u32 $0x7, s2  }
0x6: {  	s4 =	sshll.u32 s5, $0x4;
	p1 =	sne.s32 s6, $0x0;
	s5 =	ssub.s32 $0x2, s5  }
0x7: {  	s26 =	sshll.u32 s6, $0x15;
	s15 =	sor.u32 s2, s4;
	s4 =	simm.s32 $0x0  }
0x8: {  	s8 =	sshrl.u32 s5, $0x1;
	p0 =	seq.s32 s15, $0x0;
	[smem:$0x7FF] =	sst s4  }
0x9: {  	s9 =	sshrl.u32 s15, $0x3;
	s16 =	ssub.s32 s5, s8;
	p0 =	por !p1, !p0  }
0xa: {  	s5 =	simm.s32 $0x1;
	s15 =	sshll.u32 s15, $0x3;
	p0 =	por !p0, !p0  }
0xb: {  	_ =	strace $0x80000047;
	s20 =	sand.u32 $0xC0, s15;
	s7 =	simm.s32 @!p0 $0x0  }
0xc: {  	s15 =	smax.u32 s16, $0x1;
	s18 =	simm.s32 @!p0 $0x0;
	s17 =	ssub.s32 s9, s7  }
0xd: {  	s18 =	sshll.u32 s18, $0x6;
	s28 =	sshll.u32 s17, $0x10;
	s7 =	sshll.u32 s17, $0x6  }
0xe: {  	s16 =	sadd.s32 s18, s20;
	p0 =	sgt.s32 s17, $0x1;
	s17 =	simm.s32 $0x10000  }
0xf: {  	s18 =	simm.s32 $0x0;
	s19 =	sadd.s32 s26, s28;
	s6 =	sadd.s32 $0xFFFFFF80, s7  }
0x10: {  	s29 =	sshrl.u32 s19, $0x3;
	s30 =	sadd.s32 $0x40000, s19;
	s31 =	sadd.s32 $0x80000, s19  }
0x11: {  	s10 =	sadd.s32 $0xC0000, s19;
	s11 =	sadd.s32 $0x100000, s19;
	s12 =	sadd.s32 $0x140000, s19  }
0x12: {  	s13 =	sadd.s32 $0x180000, s19;
	s19 =	sadd.s32 $0x1C0000, s19;
	s7 =	sadd.s32 s14, s29  }
.Ltmp0:
0x13: {  	s8 =	sshrl.u32 s30, $0x3;
	s9 =	sshrl.u32 s31, $0x3;
	(pc) =	sbr.rel .LBB2_1-.Ltmp0, $4  }
0x14: {  	v0 =	vlaneseq.u32;
	s10 =	sshrl.u32 s10, $0x3;
	s11 =	sshrl.u32 s11, $0x3;
	s12 =	sshrl.u32 s12, $0x3  }
0x15: {  	v0 =	vmul.u32 $0x80, v0;
	s13 =	sshrl.u32 s13, $0x3;
	s19 =	sshrl.u32 s19, $0x3;
	s8 =	sadd.s32 s14, s8  }
0x16: {  	s9 =	sadd.s32 s14, s9;
	s10 =	sadd.s32 s14, s10;
	s11 =	sadd.s32 s14, s11  }
0x17: {  	v1 =	vor.u32 $0x800, v0;
	s12 =	sadd.s32 s14, s12;
	s13 =	sadd.s32 s14, s13;
	s14 =	sadd.s32 s14, s19  }
.LBB2_9:
0x18: {  	[hbm4b:s7+s4] =	stream.linear.scatter [tilespmem:s4], [sflag:$0x1], $0x10000, $0x38;
	[tilespmem:$0x11000] =	vst v63  }
0x19: {  	_ = 	snop  }
0x1a: {  	[hbm4b:s8+s4] =	stream.linear.scatter [tilespmem:s4], [sflag:$0x1], $0x10000, $0x38;
	[tilespmem:$0x11000] =	vst v63  }
0x1b: {  	_ = 	snop  }
0x1c: {  	[hbm4b:s9+s4] =	stream.linear.scatter [tilespmem:s4], [sflag:$0x1], $0x10000, $0x38;
	[tilespmem:$0x11000] =	vst v63  }
0x1d: {  	_ = 	snop  }
0x1e: {  	[hbm4b:s10+s4] =	stream.linear.scatter [tilespmem:s4], [sflag:$0x1], $0x10000, $0x38;
	[tilespmem:$0x11000] =	vst v63  }
0x1f: {  	_ = 	snop  }
0x20: {  	[hbm4b:s11+s4] =	stream.linear.scatter [tilespmem:s4], [sflag:$0x1], $0x10000, $0x38;
	[tilespmem:$0x11000] =	vst v63  }
0x21: {  	_ = 	snop  }
0x22: {  	[hbm4b:s12+s4] =	stream.linear.scatter [tilespmem:s4], [sflag:$0x1], $0x10000, $0x38;
	[tilespmem:$0x11000] =	vst v63  }
0x23: {  	_ = 	snop  }
0x24: {  	[hbm4b:s13+s4] =	stream.linear.scatter [tilespmem:s4], [sflag:$0x1], $0x10000, $0x38;
	[tilespmem:$0x11000] =	vst v63  }
0x25: {  	_ = 	snop  }
0x26: {  	[hbm4b:s14+s4] =	stream.linear.scatter [tilespmem:s4], [sflag:$0x1], $0x10000, $0x38;
	[tilespmem:$0x11000] =	vst v63  }
0x27: {  	_ =	swait.ge [sflag:s5], $0x10000  }
0x28: {  	[sflag:s5] =	ssyncset.done $0x0  }
0x29: {  	[sflag:s5] =	ssyncadd.s32 $0xFFFF0000  }
0x2a: {  	_ =	swait.ge [sflag:s5], $0x10000  }
0x2b: {  	[sflag:s5] =	ssyncset.done $0x0  }
0x2c: {  	[sflag:s5] =	ssyncadd.s32 $0xFFFF0000  }
0x2d: {  	_ =	swait.ge [sflag:s5], $0x10000  }
0x2e: {  	[sflag:s5] =	ssyncset.done $0x0  }
0x2f: {  	[sflag:s5] =	ssyncadd.s32 $0xFFFF0000  }
0x30: {  	_ =	swait.ge [sflag:s5], $0x10000  }
0x31: {  	[sflag:s5] =	ssyncset.done $0x0  }
0x32: {  	[sflag:s5] =	ssyncadd.s32 $0xFFFF0000  }
0x33: {  	_ =	swait.ge [sflag:s5], $0x10000  }
0x34: {  	[sflag:s5] =	ssyncset.done $0x0  }
0x35: {  	[sflag:s5] =	ssyncadd.s32 $0xFFFF0000  }
0x36: {  	_ =	swait.ge [sflag:s5], $0x10000  }
0x37: {  	[sflag:s5] =	ssyncset.done $0x0  }
0x38: {  	s18 =	sadd.s32 $0x1, s18;
	[sflag:s5] =	ssyncadd.s32 $0xFFFF0000  }
0x39: {  	p1 =	sne.s32 s18, s15;
	_ =	swait.ge [sflag:s5], $0x10000  }
.Ltmp1:
0x3a: {  	[sflag:s5] =	ssyncset.done $0x0;
	(pc) =	sbr.rel @!p1 .LBB2_10-.Ltmp1, $4  }
0x3b: {  	[sflag:s5] =	ssyncadd.s32 $0xFFFF0000  }
0x3c: {  	_ =	swait.ge [sflag:s5], $0x10000  }
0x3d: {  	[sflag:s5] =	ssyncset.done $0x0  }
0x3e: {  	[sflag:s5] =	ssyncadd.s32 $0xFFFF0000  }
.LBB2_1:
.Ltmp2:
0x3f: {  	(pc) =	sbr.rel @p0 .LBB2_5-.Ltmp2, $1  }
0x40: {  	_ =	sdelay $0x3  }
0x41: {  	s19 =	sadd.s32 $0x0, s16  }
0x42: {  	s20 =	simm.s32 $0x0;
	v2 =	vadd.s32 s19, v1  }
0x43: {  	[tilespmem:s17], [sflag:$0x1] =	stream.linear.gather [hbm4b:s3+s20], $0x1000, $0x38;
	[tilespmem:$0x11000] =	vst v63  }
0x44: {  	_ =	swait.ge [sflag:s5], $0x1000  }
0x45: {  	[sflag:s5] =	ssyncset.done $0x0  }
0x46: {  	[sflag:s5] =	ssyncadd.s32 $0xFFFFF000  }
0x47: {  	v3 =	vadd.s32 s19, v0;
	v2 =	vld.idx.msk [tilespmem:v2+s17+$0x0], $0xffff;
	_ =	sdelay $0x3  }
0x48: {  	s19 =	simm.s32 $0x200  }
0x49: {  	v3 =	vld.idx.msk [tilespmem:v3+s17+$0x0], $0xffff;
	[tilespmem:s19+$0x1B0] =	vst v2  }
0x4a: {  	[tilespmem:s19+$0xFFFFFEB0] =	vst v2  }
0x4b: {  	[tilespmem:s19+$0xFFFFFE90] =	vst v2  }
0x4c: {  	[tilespmem:s19+$0xFFFFFE70] =	vst v2  }
0x4d: {  	[tilespmem:s19+$0xFFFFFE50] =	vst v2  }
0x4e: {  	[tilespmem:s19+$0xFFFFFE30] =	vst v2  }
0x4f: {  	[tilespmem:s19+$0xFFFFFEC0] =	vst v3  }
0x50: {  	[tilespmem:s19+$0xFFFFFEA0] =	vst v3  }
0x51: {  	[tilespmem:s19+$0xFFFFFE80] =	vst v3  }
0x52: {  	[tilespmem:s19+$0xFFFFFE60] =	vst v3  }
0x53: {  	[tilespmem:s19+$0xFFFFFE40] =	vst v3  }
0x54: {  	[tilespmem:s19+$0xFFFFFE20] =	vst v3  }
0x55: {  	[tilespmem:s19+$0xFFFFFE10] =	vst v2  }
0x56: {  	[tilespmem:s19+$0xFFFFFE00] =	vst v3  }
0x57: {  	[tilespmem:s19+$0x1C0] =	vst v3  }
0x58: {  	[tilespmem:s19+$0x1A0] =	vst v3  }
0x59: {  	[tilespmem:s19+$0x190] =	vst v2  }
0x5a: {  	[tilespmem:s19+$0x180] =	vst v3  }
0x5b: {  	[tilespmem:s19+$0x170] =	vst v2  }
0x5c: {  	[tilespmem:s19+$0x160] =	vst v3  }
0x5d: {  	[tilespmem:s19+$0x150] =	vst v2  }
0x5e: {  	[tilespmem:s19+$0x140] =	vst v3  }
0x5f: {  	[tilespmem:s19+$0x130] =	vst v2  }
0x60: {  	[tilespmem:s19+$0x120] =	vst v3  }
0x61: {  	[tilespmem:s19+$0x110] =	vst v2  }
0x62: {  	[tilespmem:s19+$0x100] =	vst v3  }
0x63: {  	[tilespmem:s19+$0xF0] =	vst v2  }
0x64: {  	[tilespmem:s19+$0xE0] =	vst v3  }
0x65: {  	[tilespmem:s19+$0xD0] =	vst v2  }
0x66: {  	[tilespmem:s19+$0xC0] =	vst v3  }
0x67: {  	[tilespmem:s19+$0xB0] =	vst v2  }
0x68: {  	[tilespmem:s19+$0xA0] =	vst v3  }
0x69: {  	[tilespmem:s19+$0x90] =	vst v2  }
0x6a: {  	[tilespmem:s19+$0x80] =	vst v3  }
0x6b: {  	[tilespmem:s19+$0x70] =	vst v2  }
0x6c: {  	[tilespmem:s19+$0x60] =	vst v3  }
0x6d: {  	[tilespmem:s19+$0x50] =	vst v2  }
0x6e: {  	[tilespmem:s19+$0x40] =	vst v3  }
0x6f: {  	[tilespmem:s19+$0x30] =	vst v2  }
0x70: {  	[tilespmem:s19+$0x20] =	vst v3  }
0x71: {  	[tilespmem:s19+$0x10] =	vst v2  }
0x72: {  	[tilespmem:s19+$0x0] =	vst v3  }
0x73: {  	[tilespmem:s19+$0xFFFFFFF0] =	vst v2  }
0x74: {  	[tilespmem:s19+$0xFFFFFFE0] =	vst v3  }
0x75: {  	[tilespmem:s19+$0xFFFFFFD0] =	vst v2  }
0x76: {  	[tilespmem:s19+$0xFFFFFFC0] =	vst v3  }
0x77: {  	[tilespmem:s19+$0xFFFFFFB0] =	vst v2  }
0x78: {  	[tilespmem:s19+$0xFFFFFFA0] =	vst v3  }
0x79: {  	[tilespmem:s19+$0xFFFFFF90] =	vst v2  }
0x7a: {  	[tilespmem:s19+$0xFFFFFF80] =	vst v3  }
0x7b: {  	[tilespmem:s19+$0xFFFFFF70] =	vst v2  }
0x7c: {  	[tilespmem:s19+$0xFFFFFF60] =	vst v3  }
0x7d: {  	[tilespmem:s19+$0xFFFFFF50] =	vst v2  }
0x7e: {  	[tilespmem:s19+$0xFFFFFF40] =	vst v3  }
0x7f: {  	[tilespmem:s19+$0xFFFFFF30] =	vst v2  }
0x80: {  	[tilespmem:s19+$0xFFFFFF20] =	vst v3  }
0x81: {  	[tilespmem:s19+$0xFFFFFF10] =	vst v2  }
0x82: {  	[tilespmem:s19+$0xFFFFFF00] =	vst v3  }
0x83: {  	s21 =	sadd.s32 $0x1, s16;
	s20 =	simm.s32 $0x2;
	[tilespmem:s19+$0xFFFFFEF0] =	vst v2  }
.LBB2_3:
0x84: {  	p1 =	seq.s32 s20, $0x3F;
	v4 =	vadd.s32 s21, v1;
	[tilespmem:s19+$0xFFFFFEE0] =	vst v3  }
0x85: {  	[tilespmem:s19+$0xFFFFFED0] =	vst v2  }
0x86: {  	[tilespmem:s19+$0x1D0] =	vst v2  }
0x87: {  	[tilespmem:s19+$0x1E0] =	vst v3  }
0x88: {  	[tilespmem:s19+$0x1F0] =	vst v2  }
0x89: {  	v2 =	vld.idx.msk [tilespmem:v4+s17+$0x0], $0xffff  }
0x8a: {  	v3 =	vadd.s32 s21, v0;
	_ =	sdelay $0x3  }
0x8b: {  	s19 =	sadd.s32 $0x400, s19  }
0x8c: {  	v3 =	vld.idx.msk [tilespmem:v3+s17+$0x0], $0xffff;
	[tilespmem:s19+$0x1B0] =	vst v2  }
0x8d: {  	[tilespmem:s19+$0xFFFFFEB0] =	vst v2  }
0x8e: {  	[tilespmem:s19+$0xFFFFFE90] =	vst v2  }
0x8f: {  	[tilespmem:s19+$0xFFFFFE70] =	vst v2  }
0x90: {  	[tilespmem:s19+$0xFFFFFE50] =	vst v2  }
0x91: {  	[tilespmem:s19+$0xFFFFFE30] =	vst v2  }
0x92: {  	[tilespmem:s19+$0xFFFFFEC0] =	vst v3  }
0x93: {  	[tilespmem:s19+$0xFFFFFEA0] =	vst v3  }
0x94: {  	[tilespmem:s19+$0xFFFFFE80] =	vst v3  }
0x95: {  	[tilespmem:s19+$0xFFFFFE60] =	vst v3  }
0x96: {  	[tilespmem:s19+$0xFFFFFE40] =	vst v3  }
0x97: {  	[tilespmem:s19+$0xFFFFFE20] =	vst v3  }
0x98: {  	[tilespmem:s19+$0xFFFFFE10] =	vst v2  }
0x99: {  	[tilespmem:s19+$0xFFFFFE00] =	vst v3  }
0x9a: {  	[tilespmem:s19+$0x1C0] =	vst v3  }
0x9b: {  	[tilespmem:s19+$0x1A0] =	vst v3  }
0x9c: {  	[tilespmem:s19+$0x190] =	vst v2  }
0x9d: {  	[tilespmem:s19+$0x180] =	vst v3  }
0x9e: {  	[tilespmem:s19+$0x170] =	vst v2  }
0x9f: {  	[tilespmem:s19+$0x160] =	vst v3  }
0xa0: {  	[tilespmem:s19+$0x150] =	vst v2  }
0xa1: {  	[tilespmem:s19+$0x140] =	vst v3  }
0xa2: {  	[tilespmem:s19+$0x130] =	vst v2  }
0xa3: {  	[tilespmem:s19+$0x120] =	vst v3  }
0xa4: {  	[tilespmem:s19+$0x110] =	vst v2  }
0xa5: {  	[tilespmem:s19+$0x100] =	vst v3  }
0xa6: {  	[tilespmem:s19+$0xF0] =	vst v2  }
0xa7: {  	[tilespmem:s19+$0xE0] =	vst v3  }
0xa8: {  	[tilespmem:s19+$0xD0] =	vst v2  }
0xa9: {  	[tilespmem:s19+$0xC0] =	vst v3  }
0xaa: {  	[tilespmem:s19+$0xB0] =	vst v2  }
0xab: {  	[tilespmem:s19+$0xA0] =	vst v3  }
0xac: {  	[tilespmem:s19+$0x90] =	vst v2  }
0xad: {  	[tilespmem:s19+$0x80] =	vst v3  }
0xae: {  	[tilespmem:s19+$0x70] =	vst v2  }
0xaf: {  	[tilespmem:s19+$0x60] =	vst v3  }
0xb0: {  	[tilespmem:s19+$0x50] =	vst v2  }
0xb1: {  	[tilespmem:s19+$0x40] =	vst v3  }
0xb2: {  	[tilespmem:s19+$0x30] =	vst v2  }
0xb3: {  	[tilespmem:s19+$0x20] =	vst v3  }
0xb4: {  	[tilespmem:s19+$0x10] =	vst v2  }
0xb5: {  	[tilespmem:s19+$0x0] =	vst v3  }
0xb6: {  	[tilespmem:s19+$0xFFFFFFF0] =	vst v2  }
0xb7: {  	[tilespmem:s19+$0xFFFFFFE0] =	vst v3  }
0xb8: {  	[tilespmem:s19+$0xFFFFFFD0] =	vst v2  }
0xb9: {  	[tilespmem:s19+$0xFFFFFFC0] =	vst v3  }
0xba: {  	[tilespmem:s19+$0xFFFFFFB0] =	vst v2  }
0xbb: {  	[tilespmem:s19+$0xFFFFFFA0] =	vst v3  }
0xbc: {  	[tilespmem:s19+$0xFFFFFF90] =	vst v2  }
0xbd: {  	[tilespmem:s19+$0xFFFFFF80] =	vst v3  }
0xbe: {  	[tilespmem:s19+$0xFFFFFF70] =	vst v2  }
0xbf: {  	[tilespmem:s19+$0xFFFFFF60] =	vst v3  }
0xc0: {  	[tilespmem:s19+$0xFFFFFF50] =	vst v2  }
0xc1: {  	[tilespmem:s19+$0xFFFFFF40] =	vst v3  }
.Ltmp3:
0xc2: {  	[tilespmem:s19+$0xFFFFFF30] =	vst v2;
	(pc) =	sbr.rel @!p1 .LBB2_3-.Ltmp3, $4  }
0xc3: {  	[tilespmem:s19+$0xFFFFFF20] =	vst v3  }
0xc4: {  	[tilespmem:s19+$0xFFFFFF10] =	vst v2  }
0xc5: {  	[tilespmem:s19+$0xFFFFFF00] =	vst v3  }
0xc6: {  	s21 =	sadd.s32 s20, s16;
	s20 =	sadd.s32 $0x1, s20;
	[tilespmem:s19+$0xFFFFFEF0] =	vst v2  }
0xc7: {  	v4 =	vadd.s32 s21, v1;
	[tilespmem:s19+$0xFFFFFEE0] =	vst v3  }
0xc8: {  	[tilespmem:s19+$0xFFFFFED0] =	vst v2  }
0xc9: {  	[tilespmem:s19+$0x1D0] =	vst v2  }
0xca: {  	[tilespmem:s19+$0x1E0] =	vst v3  }
0xcb: {  	[tilespmem:s19+$0x1F0] =	vst v2  }
0xcc: {  	v2 =	vadd.s32 s21, v0;
	v3 =	vld.idx.msk [tilespmem:v4+s17+$0x0], $0xffff;
	_ =	sdelay $0x3  }
0xcd: {  	s31 =	sadd.s32 $0x400, s19  }
0xce: {  	v2 =	vld.idx.msk [tilespmem:v2+s17+$0x0], $0xffff;
	[tilespmem:s31+$0x1B0] =	vst v3  }
0xcf: {  	[tilespmem:s31+$0xFFFFFEB0] =	vst v3  }
0xd0: {  	[tilespmem:s31+$0xFFFFFE90] =	vst v3  }
0xd1: {  	[tilespmem:s31+$0xFFFFFE70] =	vst v3  }
0xd2: {  	[tilespmem:s31+$0xFFFFFE50] =	vst v3  }
0xd3: {  	[tilespmem:s31+$0xFFFFFE30] =	vst v3  }
0xd4: {  	[tilespmem:s31+$0xFFFFFEC0] =	vst v2  }
0xd5: {  	[tilespmem:s31+$0xFFFFFEA0] =	vst v2  }
0xd6: {  	[tilespmem:s31+$0xFFFFFE80] =	vst v2  }
0xd7: {  	[tilespmem:s31+$0xFFFFFE60] =	vst v2  }
0xd8: {  	[tilespmem:s31+$0xFFFFFE40] =	vst v2  }
0xd9: {  	[tilespmem:s31+$0xFFFFFE20] =	vst v2  }
0xda: {  	[tilespmem:s31+$0xFFFFFE10] =	vst v3  }
0xdb: {  	[tilespmem:s31+$0xFFFFFE00] =	vst v2  }
0xdc: {  	[tilespmem:s31+$0x1C0] =	vst v2  }
0xdd: {  	[tilespmem:s31+$0x1A0] =	vst v2  }
0xde: {  	[tilespmem:s31+$0x190] =	vst v3  }
0xdf: {  	[tilespmem:s31+$0x180] =	vst v2  }
0xe0: {  	[tilespmem:s31+$0x170] =	vst v3  }
0xe1: {  	[tilespmem:s31+$0x160] =	vst v2  }
0xe2: {  	[tilespmem:s31+$0x150] =	vst v3  }
0xe3: {  	[tilespmem:s31+$0x140] =	vst v2  }
0xe4: {  	[tilespmem:s31+$0x130] =	vst v3  }
0xe5: {  	[tilespmem:s31+$0x120] =	vst v2  }
0xe6: {  	[tilespmem:s31+$0x110] =	vst v3  }
0xe7: {  	[tilespmem:s31+$0x100] =	vst v2  }
0xe8: {  	[tilespmem:s31+$0xF0] =	vst v3  }
0xe9: {  	[tilespmem:s31+$0xE0] =	vst v2  }
0xea: {  	[tilespmem:s31+$0xD0] =	vst v3  }
0xeb: {  	[tilespmem:s31+$0xC0] =	vst v2  }
0xec: {  	[tilespmem:s31+$0xB0] =	vst v3  }
0xed: {  	[tilespmem:s31+$0xA0] =	vst v2  }
0xee: {  	[tilespmem:s31+$0x90] =	vst v3  }
0xef: {  	[tilespmem:s31+$0x80] =	vst v2  }
0xf0: {  	[tilespmem:s31+$0x70] =	vst v3  }
0xf1: {  	[tilespmem:s31+$0x60] =	vst v2  }
0xf2: {  	[tilespmem:s31+$0x50] =	vst v3  }
0xf3: {  	[tilespmem:s31+$0x40] =	vst v2  }
0xf4: {  	[tilespmem:s31+$0x30] =	vst v3  }
0xf5: {  	[tilespmem:s31+$0x20] =	vst v2  }
0xf6: {  	[tilespmem:s31+$0x10] =	vst v3  }
0xf7: {  	[tilespmem:s31+$0x0] =	vst v2  }
0xf8: {  	[tilespmem:s31+$0xFFFFFFF0] =	vst v3  }
0xf9: {  	[tilespmem:s31+$0xFFFFFFE0] =	vst v2  }
0xfa: {  	[tilespmem:s31+$0xFFFFFFD0] =	vst v3  }
0xfb: {  	[tilespmem:s31+$0xFFFFFFC0] =	vst v2  }
0xfc: {  	[tilespmem:s31+$0xFFFFFFB0] =	vst v3  }
0xfd: {  	[tilespmem:s31+$0xFFFFFFA0] =	vst v2  }
0xfe: {  	[tilespmem:s31+$0xFFFFFF90] =	vst v3  }
0xff: {  	[tilespmem:s31+$0xFFFFFF80] =	vst v2  }
0x100: {  	[tilespmem:s31+$0xFFFFFF70] =	vst v3  }
0x101: {  	[tilespmem:s31+$0xFFFFFF60] =	vst v2  }
0x102: {  	[tilespmem:s31+$0xFFFFFF50] =	vst v3  }
0x103: {  	[tilespmem:s31+$0xFFFFFF40] =	vst v2  }
0x104: {  	[tilespmem:s31+$0xFFFFFF30] =	vst v3  }
0x105: {  	[tilespmem:s31+$0xFFFFFF20] =	vst v2  }
0x106: {  	[tilespmem:s31+$0xFFFFFF10] =	vst v3  }
0x107: {  	[tilespmem:s31+$0xFFFFFF00] =	vst v2  }
0x108: {  	[tilespmem:s31+$0xFFFFFEF0] =	vst v3  }
.Ltmp4:
0x109: {  	[tilespmem:s31+$0xFFFFFEE0] =	vst v2;
	(pc) =	sbr.rel .LBB2_9-.Ltmp4, $4  }
0x10a: {  	[tilespmem:s31+$0xFFFFFED0] =	vst v3  }
0x10b: {  	[tilespmem:s31+$0x1D0] =	vst v3  }
0x10c: {  	[tilespmem:s31+$0x1E0] =	vst v2  }
0x10d: {  	[tilespmem:s31+$0x1F0] =	vst v3  }
.LBB2_5:
0x10e: {  	s19 =	simm.s32 $0x0  }
0x10f: {  	[tilespmem:s17], [sflag:$0x1] =	stream.linear.gather [hbm4b:s0+s19], $0x1000, $0x38;
	[tilespmem:$0x11000] =	vst v63  }
0x110: {  	_ =	swait.ge [sflag:s5], $0x1000  }
0x111: {  	[sflag:s5] =	ssyncset.done $0x0  }
0x112: {  	s20 =	simm.s32 $0x10;
	[sflag:s5] =	ssyncadd.s32 $0xFFFFF000  }
.LBB2_6:
0x113: {  	s21 =	sadd.s32 s19, s6  }
0x114: {  	s22 =	sadd.s32 $0x0, s21  }
0x115: {  	v2 =	vmov s22;
	_ =	sdelay $0x4  }
0x116: {  	v2 =	vld.idx.msk [tilespmem:v2+s17+$0x0], $0xffff  }
0x117: {  	s31 =	sadd.s32 $0x80, s21  }
0x118: {  	v3 =	vmov s31;
	_ =	sdelay $0x2  }
0x119: {  	[tilespmem:s20+$0xFFFFFFF0] =	vst v2  }
0x11a: {  	[tilespmem:s20+$0x0] =	vst v2  }
0x11b: {  	s24 =	simm.s32 $0x100;
	s23 =	simm.s32 $0x3;
	s22 =	smov.u32 s20;
	v2 =	vld.idx.msk [tilespmem:v3+s17+$0x0], $0xffff  }
.LBB2_7:
0x11c: {  	p1 =	sne.s32 s23, $0x1F;
	s24 =	sadd.s32 s21, s24  }
0x11d: {  	v3 =	vmov s24;
	_ =	sdelay $0x1  }
.Ltmp5:
0x11e: {  	s22 =	sadd.s32 $0x20, s22;
	(pc) =	sbr.rel @p1 .LBB2_7-.Ltmp5, $4  }
0x11f: {  	[tilespmem:s22+$0xFFFFFFF0] =	vst v2  }
0x120: {  	[tilespmem:s22+$0x0] =	vst v2  }
0x121: {  	v2 =	vld.idx.msk [tilespmem:v3+s17+$0x0], $0xffff  }
0x122: {  	s24 =	sshll.u32 s23, $0x7;
	s23 =	sadd.s32 $0x1, s23  }
0x123: {  	s21 =	sadd.s32 s21, s24  }
0x124: {  	v3 =	vmov s21;
	_ =	sdelay $0x1  }
0x125: {  	s31 =	sadd.s32 $0x20, s22  }
0x126: {  	[tilespmem:s31+$0xFFFFFFF0] =	vst v2  }
0x127: {  	[tilespmem:s31+$0x0] =	vst v2  }
0x128: {  	s19 =	sadd.s32 $0x1, s19;
	v2 =	vld.idx.msk [tilespmem:v3+s17+$0x0], $0xffff  }
0x129: {  	p1 =	sne.s32 s19, $0x40  }
.Ltmp6:
0x12a: {  	_ = 	snop;
	(pc) =	sbr.rel @p1 .LBB2_6-.Ltmp6, $4  }
.Ltmp7:
0x12b: {  	_ = 	snop;
	(pc) =	sbr.rel @!p1 .LBB2_9-.Ltmp7, $4  }
0x12c: {  	s21 =	sadd.s32 $0x20, s31  }
0x12d: {  	[tilespmem:s21+$0xFFFFFFF0] =	vst v2  }
0x12e: {  	s20 =	sadd.s32 $0x400, s20;
	[tilespmem:s21+$0x0] =	vst v2  }
0x12f: {  	_ = 	snop  }
.LBB2_10:
0x130: {  	_ =	sfence.sel $0x180000  }
0x131: {  	[bflag:$0x0] =	sbarrier.arrive $0xFFFF  }
0x132: {  	p0 =	sne.s32 s2, $0x0;
	_ =	strace $0x90000047  }
0x133: {  	s0 =	sadd.s32 @!p0 $0x100000, s1;
	[bflag:$0x2] =	sbarrier.arrive $0xFFFF  }
0x134: {  	[sflag:s0] =	ssyncadd.tile.s32 @!p0 $0x1;
	_ =	shalt  }
.Lfunc_end2:
_tile_overlayer_lowered:
.L_overlay_start_2:
0x135: {  	(tag) =	ssettag $0x2  }
0x136: {  	s0 =	rddreg [dreg:$0x0];
	s2 =	stileid.u32  }
0x137: {  	s1 =	rddreg [dreg:$0x1];
	p0 =	sne.s32 s2, $0x0  }
0x138: {  	s3 =	rddreg [dreg:$0x2];
	[bflag:$0x3] =	sbarrier.arrive $0xFFFF;
	s2 =	simm.s32 @!p0 $0x1C02  }
0x139: {  	[timem:s3], [sflag:s2] =	dma.local @!p0 [hbm:s0], s1  }
0x13a: {  	s0 =	simm.s32 @!p0 $0x2  }
0x13b: {  	_ =	swait.ge @!p0 [sflag:s0], s1  }
0x13c: {  	s1 =	ssub.s32 @!p0 $0x0, s1;
	[sflag:s0] =	ssyncset.done @!p0 $0x0  }
0x13d: {  	[sflag:s0] =	ssyncadd.s32 @!p0 s1  }
0x13e: {  	[bflag:$0x3] =	sbarrier.arrive $0xFFFF  }
0x13f: {  	_ =	shalt  }

// kernel: sparse-core-data-format-call.cloned.1.call-start
scs
called_computation_lowered:
.L_overlay_start_0:
0x0: {  	s2 =	sld [smem:$0x3FD9]  }
0x1: {  	s3 =	sld [smem:$0x3FFE];
	_ =	sdelay $0x1  }
0x2: {  	s1 =	srdreg.scid  }
0x3: {  	s0 =	sand.u32 $0x1, s1  }
0x4: {  	s18 =	sshll.u32 s0, $0xA;
	s2 =	sadd.s32 s3, s2  }
0x5: {  	s2 =	sadd.s32 s2, s18  }
0x6: {  	[smem:$0x3FC6] =	sst s2  }
0x7: {  	_ = 	snop  }
0x8: {  	s2 =	sld [smem:$0x3FD0];
	(tm) =	ssettm $0x1  }
0x9: {  	s19 =	sld [smem:$0x3FFB];
	_ =	sdelay $0x3  }
0xa: {  	_ =	strace s19  }
0xb: {  	s3 =	sld [smem:$0x3FFC];
	_ =	sdelay $0x3  }
0xc: {  	_ =	strace s3  }
0xd: {  	s3 =	sld [smem:$0x3FFD];
	_ =	sdelay $0x3  }
0xe: {  	_ =	strace s3  }
0xf: {  	_ =	strace $0x8FFFFFFF  }
0x10: {  	s20 =	sld [smem:$0x3FDB];
	_ =	sdelay $0x1  }
0x11: {  	s4 =	simm.s32 $_scs_section_size  }
0x12: {  	s5 =	simm.s32 $_size__tile_overlayer_lowered;
	s6 =	simm.s32 $_tile_overlayer_lowered  }
0x13: {  	s23 =	simm.s32 $0x1BFF;
	s22 =	sshll.u32 s6, $0x1;
	s3 =	sadd.s32 s4, s20  }
0x14: {  	s7 =	simm.s32 $0x0;
	s21 =	sshll.u32 s5, $0x1;
	s5 =	sadd.s32 s22, s3  }
0x15: {  	[timem:s7], [sflag:s23] =	dma.local [hbm:s5], s21  }
0x16: {  	_ =	swait.ge [sflag:s23], s21  }
0x17: {  	s4 =	ssub.s32 $0x0, s21;
	[sflag:s23] =	ssyncset.done $0x0  }
0x18: {  	[sflag:s23] =	ssyncadd.s32 s4;
	_ =	sdelay $0x1  }
0x19: {  	s24 =	simm.s32 $0x1B8B  }
0x1a: {  	_ =	swait.ge [sflag:s24], $0x1  }
0x1b: {  	[sflag:s24] =	ssyncset.done $0x0  }
0x1c: {  	s26 =	simm.s32 $0x1B8E;
	s25 =	sld [smem:$0x3FFE];
	[sflag:s24] =	ssyncadd.s32 $0xFFFFFFFF  }
0x1d: {  	s27 =	simm.s32 $execute0_lowered;
	[smem:$0x3FD2] =	sst s26  }
0x1e: {  	s5 =	sshll.u32 s27, $0x1;
	_ =	strace $0x80000049;
	[dreg:$0x1] =	wrdreg $0xFFFFFFFF  }
0x1f: {  	s28 =	simm.s32 $_size_execute0_lowered;
	s3 =	sadd.s32 s3, s5;
	[dreg:$0x0] =	wrdreg $0x0  }
0x20: {  	s5 =	sshll.u32 s28, $0x1;
	[dreg:$0x2] =	wrdreg s3  }
0x21: {  	[dreg:$0x3] =	wrdreg s5  }
0x22: {  	[dreg:$0x4] =	wrdreg $0xC0  }
0x23: {  	_ =	task [dreg:s7], $0x5FFFF  }
0x24: {  	[dreg:$0x1] =	wrdreg $0xFFFFFFFF  }
0x25: {  	[dreg:$0x0] =	wrdreg $0x60  }
0x26: {  	[dreg:$0x2] =	wrdreg s25  }
0x27: {  	[dreg:$0x3] =	wrdreg s2  }
0x28: {  	[dreg:$0x4] =	wrdreg $0x9  }
0x29: {  	_ =	task.clear_ibuf [dreg:s7], $0x5FFFF;
	_ =	strace $0x90000049  }
0x2a: {  	s29 =	simm.s32 $0x9;
	_ =	strace $0x8000004B  }
0x2b: {  	_ =	swait.ge [sflag:s29], $0x1  }
0x2c: {  	[sflag:s29] =	ssyncadd.s32 $0xFFFFFFFF  }
0x2d: {  	_ =	strace $0x9000004B  }
0x2e: {  	_ =	sfence  }
0x2f: {  	s30 =	sld [smem:$0x0];
	_ =	sdelay $0x2  }
0x30: {  	s31 =	sshll.u32 s1, $0xD;
	s1 =	sshrl.u32 s1, $0x2  }
0x31: {  	s3 =	sand.u32 $0x4000, s31;
	s1 =	sadd.s32 s1, s30  }
0x32: {  	s0 =	sor.u32 s3, s0;
	s1 =	sshll.u32 s1, $0x11  }
0x33: {  	s0 =	sor.u32 s1, s0  }
0x34: {  	s0 =	sadd.s32 $0x8F2B, s0  }
0x35: {  	[sflag:s0] =	ssyncadd.remote.s32 $0x1  }
0x36: {  	_ =	sfence.sel $0xFFFF  }
0x37: {  	[dreg:$0x0] =	wrdreg $0xFFFFFFFF;
	(pc) =	sbr.abs _section_cstart, $3  }
0x38: {  	[dreg:$0x1] =	wrdreg $0xFFFFFFFF  }
0x39: {  	_ =	task.clear_ibuf [dreg:s7], $0x2FFFF;
	_ =	strace $0x9FFFFFFF  }
0x3a: {  	(tm) =	ssettm $0x7FFFFFFF  }
0x3b: {  	_ =	shalt  }
tec
execute0_lowered:
.L_overlay_start_1:
0x0: {  	(tag) =	ssettag $0x1  }
0x1: {  	s1 =	rddreg [dreg:$0x0]  }
0x2: {  	s2 =	rddreg [dreg:$0x1]  }
0x3: {  	s0 =	rddreg [dreg:$0x2]  }
0x4: {  	s4 =	srdreg.scid;
	_ =	strace $0x8000004A;
	s6 =	simm.s32 $0x2  }
0x5: {  	s11 =	simm.s32 $0x0;
	p0 =	por $0x0, $0x0;
	s12 =	simm.s32 $0x0  }
.Ltmp0:
0x6: {  	s13 =	simm.s32 $0x0;
	s8 =	simm.s32 $0x0;
	(pc) =	sbr.rel .LBB1_1-.Ltmp0, $4  }
0x7: {  	s9 =	simm.s32 $0x0;
	s3 =	sadd.s32 $0x800, s1;
	s4 =	sshll.u32 s4, $0x4  }
0x8: {  	s1 =	stileid.u32;
	s5 =	sand.u32 $0x10, s4;
	s4 =	simm.s32 $0x1  }
0x9: {  	s7 =	simm.s32 $0x0;
	s5 =	sor.u32 s1, s5;
	[sflag:s4] =	ssyncpa.u1 $0x0  }
0xa: {  	[sflag:s6] =	ssyncpa.u1 $0x0;
	s6 =	simm.s32 $0x800;
	s10 =	smov.u32 s5  }
.LBB1_5:
0xb: {  	s14 =	sadd.s32 $0x1, s8  }
0xc: {  	s11 =	sadd.s32 $0x80, s9;
	s15 =	smov.u32 s9;
	p2 =	sgt.s32 s14, $0x1F  }
0xd: {  	s15 =	smov.u32 @p2 s11  }
0xe: {  	s17 =	smov.u32 s10;
	s11 =	sadd.s32 $0x20, s10;
	p3 =	sgt.s32 s15, $0xFF  }
0xf: {  	p1 =	slt.u32 s7, $0x2;
	s17 =	smov.u32 @p3 s11  }
0x10: {  	s7 =	sadd.s32 $0x1, s7;
	s14 =	simm.s32 @p2 $0x0;
	p2 =	sgt.s32 s17, $0x3F  }
0x11: {  	s17 =	smov.u32 @p2 s5;
	p2 =	sne.s32 s7, $0x82  }
.Ltmp1:
0x12: {  	s16 =	simm.s32 @!p1 $0x2;
	(pc) =	sbr.rel @!p2 .LBB1_6-.Ltmp1, $4  }
0x13: {  	s12 =	smov.u32 s9;
	_ =	swait.ge @!p1 [sflag:s16], $0x1000  }
0x14: {  	s13 =	smov.u32 s10;
	p0 =	por !p0, !p0;
	[sflag:s16] =	ssyncset.done @!p1 $0x0  }
0x15: {  	s15 =	simm.s32 @p3 $0x0;
	s11 =	smov.u32 s8;
	[sflag:s16] =	ssyncadd.s32 @!p1 $0xFFFFF000  }
0x16: {  	s8 =	smov.u32 s14;
	s9 =	smov.u32 s15;
	s10 =	smov.u32 s17  }
.LBB1_1:
0x17: {  	p1 =	sgt.u32 s7, $0x7F  }
0x18: {  	s14 =	sxor.u32 @!p1 $0xFFFFFFFF, s7;
	s15 =	sshll.u32 @!p1 s10, $0x11;
	s16 =	sshll.u32 @!p1 s9, $0x9  }
0x19: {  	s17 =	sshll.u32 @!p1 s8, $0x4;
	s14 =	sshll.u32 @!p1 s14, $0xC;
	s15 =	sadd.s32 @!p1 s3, s15  }
0x1a: {  	s17 =	sand.u32 @!p1 $0x1F0, s17;
	s14 =	sand.u32 @!p1 $0x1000, s14;
	s15 =	sadd.s32 @!p1 s16, s15  }
0x1b: {  	s16 =	simm.s32 @!p1 $0x20;
	s15 =	sadd.s32 @!p1 s17, s15;
	s17 =	simm.s32 @!p1 $0x1000  }
0x1c: {  	[tilespmem:s14], [sflag:$0x1] =	stream.strided.gather @!p1 [hbm4b:s15+s16], $0x1000, s17, s16, $0x38;
	[tilespmem:$0x4040] =	vst v63  }
0x1d: {  	p1 =	seq.s32 s7, $0x0  }
0x1e: {  	p2 =	seq.s32 @!p1 s7, $0x81  }
0x1f: {  	p1 =	por p1, p2  }
.Ltmp2:
0x20: {  	_ = 	snop;
	(pc) =	sbr.rel @p1 .LBB1_5-.Ltmp2, $1  }
0x21: {  	_ =	sdelay $0x3  }
0x22: {  	s14 =	simm.s32 $0x1  }
0x23: {  	_ =	swait.ge [sflag:s4], $0x1000;
	s14 =	simm.s32 @!p0 $0x0  }
0x24: {  	[sflag:s4] =	ssyncset.done $0x0;
	s15 =	sshll.u32 s14, $0xC  }
0x25: {  	[sflag:s4] =	ssyncadd.s32 $0xFFFFF000;
	s18 =	sor.u32 $0x10, s15  }
0x26: {  	s14 =	smul.u32 $0x4080, s14;
	v1 =	vld [tilespmem:s18+$0x0]  }
0x27: {  	s30 =	sand.u32 $0x1, s7;
	v0 =	vld [tilespmem:s18+$0xFFFFFFF0]  }
0x28: {  	s15 =	smul.u32 $0x4080, s30;
	s14 =	sshrl.u32 s14, $0x2  }
0x29: {  	s16 =	sor.u32 $0x2000, s14  }
0x2a: {  	s31 =	sshrl.u32 s15, $0x2;
	s15 =	sadd.s32 $0x0, s16  }
0x2b: {  	s17 =	simm.s32 $0x4;
	s18 =	sadd.s32 $0x20, s18;
	s14 =	sor.u32 $0x2000, s31;
	[tilespmem:s15+$0x810 ss:$0x81] =	vst.msk $0xffff, v1  }
.LBB1_3:
0x2c: {  	v1 =	vld [tilespmem:s18+$0x0];
	p1 =	sne.s32 s17, $0x1FC;
	[tilespmem:s15+$0x0 ss:$0x81] =	vst.msk $0xffff, v0;
	s15 =	smov.u32 s17;
	s17 =	sadd.s32 $0x4, s17  }
.Ltmp3:
0x2d: {  	v0 =	vld [tilespmem:s18+$0xFFFFFFF0];
	(pc) =	sbr.rel @p1 .LBB1_3-.Ltmp3, $4  }
0x2e: {  	_ = 	snop  }
0x2f: {  	s15 =	sshra.s32 s15, $0x2  }
0x30: {  	s15 =	sadd.s32 s15, s16  }
0x31: {  	s18 =	sadd.s32 $0x20, s18;
	[tilespmem:s15+$0x810 ss:$0x81] =	vst.msk $0xffff, v1  }
0x32: {  	s13 =	sshll.u32 s13, $0xF;
	s16 =	sand.u32 $0x380, s12  }
.Ltmp4:
0x33: {  	s11 =	sshll.u32 s11, $0xA;
	s13 =	sadd.s32 s2, s13;
	(pc) =	sbr.rel .LBB1_5-.Ltmp4, $4  }
0x34: {  	s17 =	sshrl.u32 s12, $0x3;
	s30 =	sand.u32 $0x7, s12;
	s13 =	sadd.s32 s16, s13  }
0x35: {  	s31 =	sand.u32 $0xF, s17;
	s12 =	sshll.u32 s30, $0x12;
	s11 =	sadd.s32 s11, s13  }
0x36: {  	[tilespmem:s15+$0x0 ss:$0x81] =	vst.msk $0xffff, v0;
	s12 =	sor.u32 $0x400, s12;
	s11 =	sadd.s32 s31, s11  }
0x37: {  	[hbm4b:s11+s12] =	stream.strided.scatter [tilespmem:s14], [sflag:$0x2], $0x1000, s6, s12, $0x20;
	[tilespmem:$0x4040] =	vst v63  }
.LBB1_6:
0x38: {  	_ =	sfence.sel $0x180000  }
0x39: {  	s2 =	simm.s32 $0x1;
	[bflag:$0x0] =	sbarrier.arrive $0xFFFF  }
0x3a: {  	s31 =	simm.s32 $0x2;
	[sflag:s2] =	ssyncpa.u1 $0x1  }
0x3b: {  	[sflag:s31] =	ssyncpa.u1 $0x1  }
0x3c: {  	p0 =	sne.s32 s1, $0x0;
	_ =	strace $0x9000004A  }
0x3d: {  	s0 =	sadd.s32 @!p0 $0x100000, s0;
	[bflag:$0x2] =	sbarrier.arrive $0xFFFF  }
0x3e: {  	[sflag:s0] =	ssyncadd.tile.s32 @!p0 $0x1;
	_ =	shalt  }
.Lfunc_end1:
_tile_overlayer_lowered:
.L_overlay_start_2:
0x3f: {  	(tag) =	ssettag $0x2  }
0x40: {  	s0 =	rddreg [dreg:$0x0];
	s2 =	stileid.u32  }
0x41: {  	s1 =	rddreg [dreg:$0x1];
	p0 =	sne.s32 s2, $0x0  }
0x42: {  	s3 =	rddreg [dreg:$0x2];
	[bflag:$0x3] =	sbarrier.arrive $0xFFFF;
	s2 =	simm.s32 @!p0 $0x1C01  }
0x43: {  	[timem:s3], [sflag:s2] =	dma.local @!p0 [hbm:s0], s1  }
0x44: {  	s0 =	simm.s32 @!p0 $0x1  }
0x45: {  	_ =	swait.ge @!p0 [sflag:s0], s1  }
0x46: {  	s1 =	ssub.s32 @!p0 $0x0, s1;
	[sflag:s0] =	ssyncset.done @!p0 $0x0  }
0x47: {  	[sflag:s0] =	ssyncadd.s32 @!p0 s1  }
0x48: {  	[bflag:$0x3] =	sbarrier.arrive $0xFFFF  }
0x49: {  	_ =	shalt  }

</sc_bundles>
